<compile_context>
chip_gen: v7x
topology: tpu7x:2x2x1
jax: 0.10.2.dev20260603
libtpu: 0.0.44.dev20260713+nightly
codegen_flags: <defaults>
</compile_context>

<pallas_src>
import jax
import jax.numpy as jnp
from jax import lax
from jax.experimental import pallas as pl
from jax.experimental.pallas import tpu as pltpu
from jax.experimental.pallas import tpu_sc as plsc

H_UNITS = 32
H_SCALE = float(H_UNITS) ** 0.5

_NC = 2
_NS = 16
_NW = _NC * _NS

_B0 = 16384
_T = 26
_V = 1000000
_D = H_UNITS
_BW = _B0 // _NW
_RPG = 128
_NBLK = _BW // _RPG
_NK = _T * _NBLK


def _sc_body(idx_hbm, table_hbm, out_hbm, idx_v, glist, grows, out_v, gsem, ssem):
    wid = lax.axis_index("s") * _NC + lax.axis_index("c")
    bbase = wid * _BW

    pltpu.sync_copy(idx_hbm.at[:, pl.ds(bbase, _BW)], idx_v)

    iota16 = lax.iota(jnp.int32, 16)

    def build_glist(k):
        slot = k & 7
        t = lax.shift_right_logical(k, 2)
        blk = k & 3
        for u in range(8):
            vidx = idx_v[t, pl.ds(blk * _RPG + u * 16, 16)]
            glist[slot, pl.ds(u * 16, 16)] = lax.shift_right_logical(vidx, 2)

    def fire_gather(k):
        slot = k & 7
        p = k & 1
        pltpu.async_copy(table_hbm.at[glist.at[slot]], grows.at[p], gsem)

    build_glist(0)
    fire_gather(0)

    def body(k, carry):
        p = k & 1
        t = lax.shift_right_logical(k, 2)
        blk = k & 3

        pltpu.make_async_copy(
            table_hbm.at[pl.ds(0, _RPG)], grows.at[p], gsem
        ).wait()

        @pl.when(k > 0)
        def _():
            pltpu.make_async_copy(
                out_v.at[0], out_hbm.at[0, :, pl.ds(bbase, _RPG)], ssem
            ).wait()

        @pl.when(k + 1 < _NK)
        def _():
            build_glist(k + 1)
            fire_gather(k + 1)

        src = grows.at[p]
        for u in range(8):
            vidx = idx_v[t, pl.ds(blk * _RPG + u * 16, 16)]
            colv = lax.shift_left(lax.bitwise_and(vidx, 3), 5)
            rowv = iota16 + (u * 16)

            @plsc.parallel_loop(0, _D, 1, unroll=8)
            def hloop(h, colv=colv, rowv=rowv, u=u):
                vals = plsc.load_gather(src, [rowv, colv + h])
                out_v[p, h, pl.ds(u * 16, 16)] = vals * H_SCALE

        pltpu.async_copy(
            out_v.at[p],
            out_hbm.at[t, :, pl.ds(bbase + blk * _RPG, _RPG)],
            ssem,
        )
        return carry

    lax.fori_loop(0, _NK, body, 0)

    pltpu.make_async_copy(
        out_v.at[0], out_hbm.at[0, :, pl.ds(bbase, _RPG)], ssem
    ).wait()


@jax.jit
def kernel(inputs, lookup_table):
    b0, t = inputs.shape
    assert (b0, t) == (_B0, _T) and lookup_table.shape == (_V, _D)
    idx_t = inputs.T.astype(jnp.int32)
    table2 = lookup_table.reshape(_V * _D // 128, 128)

    emb = pl.kernel(
        _sc_body,
        mesh=plsc.VectorSubcoreMesh(core_axis_name="c", subcore_axis_name="s"),
        out_type=jax.ShapeDtypeStruct((_T, _D, _B0), jnp.float32),
        compiler_params=pltpu.CompilerParams(
            use_tc_tiling_on_sc=True, needs_layout_passes=False
        ),
        scratch_types=[
            pltpu.VMEM((_T, _BW), jnp.int32),
            pltpu.VMEM((8, _RPG), jnp.int32),
            pltpu.VMEM((2, _RPG, 128), jnp.float32),
            pltpu.VMEM((2, _D, _RPG), jnp.float32),
            pltpu.SemaphoreType.DMA,
            pltpu.SemaphoreType.DMA,
        ],
    )
    out_t = emb(idx_t, table2)
    return jnp.transpose(out_t, (2, 0, 1))

# --- scband reference (transcript-rebuilt; emitter-appended) ---
"""Pipeline reference for scband-embedding-25374666785425 (READ-ONLY COPY).

The authoritative reference and input builder live on the scoring server;
editing this copy changes nothing except your own understanding.
"""

import jax, jax.numpy as jnp
import numpy as np

VOCAB_SIZE = 1000000
H_UNITS = 32


def setup_inputs(seed: int = 0) -> dict:
    key = jax.random.key(seed)
    k_idx, k_tab = jax.random.split(key)
    inputs = jax.random.randint(k_idx, (16384, 26), 0, VOCAB_SIZE, dtype=jnp.int64 if jax.config.jax_enable_x64 else jnp.int32)
    lookup_table = jax.random.normal(k_tab, (VOCAB_SIZE, H_UNITS), dtype=jnp.float32)
    return {"inputs": inputs, "lookup_table": lookup_table}


def reference(inputs, lookup_table):
    # F.embedding(inputs, lookup_table, padding_idx=0):
    # forward is a plain gather; padding_idx only affects gradients.
    output = jnp.take(lookup_table, inputs, axis=0)
    # scale=True -> multiply by sqrt(h_units)
    output = output * (H_UNITS ** 0.5)
    return output

if __name__ == "__main__":
    import jax
    _d = setup_inputs()
    print(jax.jit(kernel)(*tuple(_d.values())))

</pallas_src>

<mosaic_0001>
#map = affine_map<(d0, d1) -> (0, 0)>
#map1 = affine_map<(d0, d1) -> (0, 0, 0)>
module attributes {stable_mosaic.version = 14 : i64} {
  func.func @_sc_body(%arg0: i32, %arg1: i32, %arg2: memref<26x16384xi32, #tpu.memory_space<hbm>>, %arg3: memref<250000x128xf32, #tpu.memory_space<hbm>>, %arg4: memref<26x32x16384xf32, #tpu.memory_space<hbm>>, %arg5: memref<26x512xi32, #tpu.memory_space<vmem>>, %arg6: memref<8x128xi32, #tpu.memory_space<vmem>>, %arg7: memref<2x128x128xf32, #tpu.memory_space<vmem>>, %arg8: memref<2x32x128xf32, #tpu.memory_space<vmem>>, %arg9: memref<!tpu.dma_semaphore, #tpu.memory_space<semaphore_mem>>, %arg10: memref<!tpu.dma_semaphore, #tpu.memory_space<semaphore_mem>>) attributes {dimension_semantics = [#tpu.dimension_semantics<core_parallel>, #tpu.dimension_semantics<subcore_parallel>], iteration_bounds = array<i64: 2, 16>, scalar_prefetch = 0 : i64, scratch_operands = 6 : i64, tpu.core_type = #tpu.core_type<sc_vector_subcore>, window_params = [{transform_indices = #map}, {transform_indices = #map}, {transform_indices = #map1}]} {
    %mul3A = arith.constant 2 : i32
    %mul3A_0 = arith.muli %arg1, %mul3A : i32
    %add3A = arith.addi %mul3A_0, %arg0 : i32
    %mul3A_1 = arith.constant 512 : i32
    %mul3A_2 = arith.muli %add3A, %mul3A_1 : i32
    "tpu.region"() ({
      %run_scoped3A = tpu.sem_alloc : memref<!tpu.dma_semaphore, #tpu.memory_space<semaphore_mem>>
      %dma_start3A_114 = arith.constant 0 : i32
      %dma_start3A_115 = tpu.memref_slice %arg2[%dma_start3A_114, %mul3A_2] : memref<26x16384xi32, #tpu.memory_space<hbm>> -> memref<26x512xi32, #tpu.memory_space<hbm>>
      %dma_start3A_116 = arith.constant 0 : i32
      %dma_start3A_117 = tpu.memref_slice %arg2[%dma_start3A_116, %mul3A_2] : memref<26x16384xi32, #tpu.memory_space<hbm>> -> memref<26x512xi32, #tpu.memory_space<hbm>>
      tpu.enqueue_dma source(%dma_start3A_117 : memref<26x512xi32, #tpu.memory_space<hbm>>) target(%arg5 : memref<26x512xi32, #tpu.memory_space<vmem>>) target_semaphore(%run_scoped3A : memref<!tpu.dma_semaphore, #tpu.memory_space<semaphore_mem>>)
      %dma_wait3A_118 = arith.constant 0 : i32
      %dma_wait3A_119 = tpu.memref_slice %arg2[%dma_wait3A_118, %mul3A_2] : memref<26x16384xi32, #tpu.memory_space<hbm>> -> memref<26x512xi32, #tpu.memory_space<hbm>>
      %dma_wait3A_120 = arith.constant 0 : i32
      %dma_wait3A_121 = tpu.memref_slice %arg2[%dma_wait3A_120, %mul3A_2] : memref<26x16384xi32, #tpu.memory_space<hbm>> -> memref<26x512xi32, #tpu.memory_space<hbm>>
      tpu.wait_dma2 semaphore(%run_scoped3A : memref<!tpu.dma_semaphore, #tpu.memory_space<semaphore_mem>>) src(%dma_wait3A_121 : memref<26x512xi32, #tpu.memory_space<hbm>>) dst(%arg5 : memref<26x512xi32, #tpu.memory_space<vmem>>)
      tpu.yield
    }) : () -> ()
    %iota3A = tpu.iota {dimensions = array<i32: 0>} : vector<16xi32>
    %shift_right_logical3A = arith.constant 0 : i32
    %shift_right_logical3A_3 = arith.constant 2 : i32
    %shift_right_logical3A_4 = arith.shrui %shift_right_logical3A, %shift_right_logical3A_3 : i32
    %get3A = arith.index_cast %shift_right_logical3A_4 : i32 to index
    %get3A_5 = arith.constant 0 : index
    %get3A_6 = tpu.vector_load %arg5[%get3A, %get3A_5] {strides = array<i32>} : memref<26x512xi32, #tpu.memory_space<vmem>>, vector<16xi32>,
    %shift_right_logical3A_7 = arith.constant 2 : i32
    %shift_right_logical3A_8 = vector.broadcast %shift_right_logical3A_7 : i32 to vector<16xi32>
    %shift_right_logical3A_9 = arith.shrui %get3A_6, %shift_right_logical3A_8 : vector<16xi32>
    %swap3A = arith.constant 0 : i32
    %swap3A_10 = arith.index_cast %swap3A : i32 to index
    %swap3A_11 = arith.constant 0 : index
    %swap3A_12 = tpu.vector_load %arg6[%swap3A_10, %swap3A_11] {strides = array<i32>} : memref<8x128xi32, #tpu.memory_space<vmem>>, vector<16xi32>,
    tpu.vector_store %arg6[%swap3A_10, %swap3A_11], %shift_right_logical3A_9 {strides = array<i32>} : memref<8x128xi32, #tpu.memory_space<vmem>>, vector<16xi32>,
    %get3A_13 = arith.index_cast %shift_right_logical3A_4 : i32 to index
    %get3A_14 = arith.constant 16 : index
    %get3A_15 = tpu.vector_load %arg5[%get3A_13, %get3A_14] {strides = array<i32>} : memref<26x512xi32, #tpu.memory_space<vmem>>, vector<16xi32>,
    %shift_right_logical3A_16 = arith.constant 2 : i32
    %shift_right_logical3A_17 = vector.broadcast %shift_right_logical3A_16 : i32 to vector<16xi32>
    %shift_right_logical3A_18 = arith.shrui %get3A_15, %shift_right_logical3A_17 : vector<16xi32>
    %swap3A_19 = arith.constant 0 : i32
    %swap3A_20 = arith.index_cast %swap3A_19 : i32 to index
    %swap3A_21 = arith.constant 16 : index
    %swap3A_22 = tpu.vector_load %arg6[%swap3A_20, %swap3A_21] {strides = array<i32>} : memref<8x128xi32, #tpu.memory_space<vmem>>, vector<16xi32>,
    tpu.vector_store %arg6[%swap3A_20, %swap3A_21], %shift_right_logical3A_18 {strides = array<i32>} : memref<8x128xi32, #tpu.memory_space<vmem>>, vector<16xi32>,
    %get3A_23 = arith.index_cast %shift_right_logical3A_4 : i32 to index
    %get3A_24 = arith.constant 32 : index
    %get3A_25 = tpu.vector_load %arg5[%get3A_23, %get3A_24] {strides = array<i32>} : memref<26x512xi32, #tpu.memory_space<vmem>>, vector<16xi32>,
    %shift_right_logical3A_26 = arith.constant 2 : i32
    %shift_right_logical3A_27 = vector.broadcast %shift_right_logical3A_26 : i32 to vector<16xi32>
    %shift_right_logical3A_28 = arith.shrui %get3A_25, %shift_right_logical3A_27 : vector<16xi32>
    %swap3A_29 = arith.constant 0 : i32
    %swap3A_30 = arith.index_cast %swap3A_29 : i32 to index
    %swap3A_31 = arith.constant 32 : index
    %swap3A_32 = tpu.vector_load %arg6[%swap3A_30, %swap3A_31] {strides = array<i32>} : memref<8x128xi32, #tpu.memory_space<vmem>>, vector<16xi32>,
    tpu.vector_store %arg6[%swap3A_30, %swap3A_31], %shift_right_logical3A_28 {strides = array<i32>} : memref<8x128xi32, #tpu.memory_space<vmem>>, vector<16xi32>,
    %get3A_33 = arith.index_cast %shift_right_logical3A_4 : i32 to index
    %get3A_34 = arith.constant 48 : index
    %get3A_35 = tpu.vector_load %arg5[%get3A_33, %get3A_34] {strides = array<i32>} : memref<26x512xi32, #tpu.memory_space<vmem>>, vector<16xi32>,
    %shift_right_logical3A_36 = arith.constant 2 : i32
    %shift_right_logical3A_37 = vector.broadcast %shift_right_logical3A_36 : i32 to vector<16xi32>
    %shift_right_logical3A_38 = arith.shrui %get3A_35, %shift_right_logical3A_37 : vector<16xi32>
    %swap3A_39 = arith.constant 0 : i32
    %swap3A_40 = arith.index_cast %swap3A_39 : i32 to index
    %swap3A_41 = arith.constant 48 : index
    %swap3A_42 = tpu.vector_load %arg6[%swap3A_40, %swap3A_41] {strides = array<i32>} : memref<8x128xi32, #tpu.memory_space<vmem>>, vector<16xi32>,
    tpu.vector_store %arg6[%swap3A_40, %swap3A_41], %shift_right_logical3A_38 {strides = array<i32>} : memref<8x128xi32, #tpu.memory_space<vmem>>, vector<16xi32>,
    %get3A_43 = arith.index_cast %shift_right_logical3A_4 : i32 to index
    %get3A_44 = arith.constant 64 : index
    %get3A_45 = tpu.vector_load %arg5[%get3A_43, %get3A_44] {strides = array<i32>} : memref<26x512xi32, #tpu.memory_space<vmem>>, vector<16xi32>,
    %shift_right_logical3A_46 = arith.constant 2 : i32
    %shift_right_logical3A_47 = vector.broadcast %shift_right_logical3A_46 : i32 to vector<16xi32>
    %shift_right_logical3A_48 = arith.shrui %get3A_45, %shift_right_logical3A_47 : vector<16xi32>
    %swap3A_49 = arith.constant 0 : i32
    %swap3A_50 = arith.index_cast %swap3A_49 : i32 to index
    %swap3A_51 = arith.constant 64 : index
    %swap3A_52 = tpu.vector_load %arg6[%swap3A_50, %swap3A_51] {strides = array<i32>} : memref<8x128xi32, #tpu.memory_space<vmem>>, vector<16xi32>,
    tpu.vector_store %arg6[%swap3A_50, %swap3A_51], %shift_right_logical3A_48 {strides = array<i32>} : memref<8x128xi32, #tpu.memory_space<vmem>>, vector<16xi32>,
    %get3A_53 = arith.index_cast %shift_right_logical3A_4 : i32 to index
    %get3A_54 = arith.constant 80 : index
    %get3A_55 = tpu.vector_load %arg5[%get3A_53, %get3A_54] {strides = array<i32>} : memref<26x512xi32, #tpu.memory_space<vmem>>, vector<16xi32>,
    %shift_right_logical3A_56 = arith.constant 2 : i32
    %shift_right_logical3A_57 = vector.broadcast %shift_right_logical3A_56 : i32 to vector<16xi32>
    %shift_right_logical3A_58 = arith.shrui %get3A_55, %shift_right_logical3A_57 : vector<16xi32>
    %swap3A_59 = arith.constant 0 : i32
    %swap3A_60 = arith.index_cast %swap3A_59 : i32 to index
    %swap3A_61 = arith.constant 80 : index
    %swap3A_62 = tpu.vector_load %arg6[%swap3A_60, %swap3A_61] {strides = array<i32>} : memref<8x128xi32, #tpu.memory_space<vmem>>, vector<16xi32>,
    tpu.vector_store %arg6[%swap3A_60, %swap3A_61], %shift_right_logical3A_58 {strides = array<i32>} : memref<8x128xi32, #tpu.memory_space<vmem>>, vector<16xi32>,
    %get3A_63 = arith.index_cast %shift_right_logical3A_4 : i32 to index
    %get3A_64 = arith.constant 96 : index
    %get3A_65 = tpu.vector_load %arg5[%get3A_63, %get3A_64] {strides = array<i32>} : memref<26x512xi32, #tpu.memory_space<vmem>>, vector<16xi32>,
    %shift_right_logical3A_66 = arith.constant 2 : i32
    %shift_right_logical3A_67 = vector.broadcast %shift_right_logical3A_66 : i32 to vector<16xi32>
    %shift_right_logical3A_68 = arith.shrui %get3A_65, %shift_right_logical3A_67 : vector<16xi32>
    %swap3A_69 = arith.constant 0 : i32
    %swap3A_70 = arith.index_cast %swap3A_69 : i32 to index
    %swap3A_71 = arith.constant 96 : index
    %swap3A_72 = tpu.vector_load %arg6[%swap3A_70, %swap3A_71] {strides = array<i32>} : memref<8x128xi32, #tpu.memory_space<vmem>>, vector<16xi32>,
    tpu.vector_store %arg6[%swap3A_70, %swap3A_71], %shift_right_logical3A_68 {strides = array<i32>} : memref<8x128xi32, #tpu.memory_space<vmem>>, vector<16xi32>,
    %get3A_73 = arith.index_cast %shift_right_logical3A_4 : i32 to index
    %get3A_74 = arith.constant 112 : index
    %get3A_75 = tpu.vector_load %arg5[%get3A_73, %get3A_74] {strides = array<i32>} : memref<26x512xi32, #tpu.memory_space<vmem>>, vector<16xi32>,
    %shift_right_logical3A_76 = arith.constant 2 : i32
    %shift_right_logical3A_77 = vector.broadcast %shift_right_logical3A_76 : i32 to vector<16xi32>
    %shift_right_logical3A_78 = arith.shrui %get3A_75, %shift_right_logical3A_77 : vector<16xi32>
    %swap3A_79 = arith.constant 0 : i32
    %swap3A_80 = arith.index_cast %swap3A_79 : i32 to index
    %swap3A_81 = arith.constant 112 : index
    %swap3A_82 = tpu.vector_load %arg6[%swap3A_80, %swap3A_81] {strides = array<i32>} : memref<8x128xi32, #tpu.memory_space<vmem>>, vector<16xi32>,
    tpu.vector_store %arg6[%swap3A_80, %swap3A_81], %shift_right_logical3A_78 {strides = array<i32>} : memref<8x128xi32, #tpu.memory_space<vmem>>, vector<16xi32>,
    %dma_start3A = arith.constant 0 : i32
    %dma_start3A_83 = arith.constant 0 : i32
    %dma_start3A_84 = arith.constant 0 : i32
    %dma_start3A_85 = arith.constant 0 : i32
    %dma_start3A_86 = tpu.memref_slice %arg7[%dma_start3A_83, %dma_start3A_84, %dma_start3A_85] : memref<2x128x128xf32, #tpu.memory_space<vmem>> -> memref<1x128x128xf32, #tpu.memory_space<vmem>>
    %dma_start3A_87 = tpu.memref_squeeze %dma_start3A_86 : memref<1x128x128xf32, #tpu.memory_space<vmem>> -> memref<128x128xf32, #tpu.memory_space<vmem>>
    %dma_start3A_88 = arith.constant 0 : i32
    %dma_start3A_89 = tpu.memref_slice %arg6[%dma_start3A, %dma_start3A_88] : memref<8x128xi32, #tpu.memory_space<vmem>> -> memref<1x128xi32, #tpu.memory_space<vmem>>
    %dma_start3A_90 = tpu.memref_squeeze %dma_start3A_89 : memref<1x128xi32, #tpu.memory_space<vmem>> -> memref<128xi32, #tpu.memory_space<vmem>>
    %dma_start3A_91 = arith.constant 0 : i32
    %dma_start3A_92 = arith.constant 0 : i32
    %dma_start3A_93 = tpu.memref_slice %arg3[%dma_start3A_91, %dma_start3A_92] : memref<250000x128xf32, #tpu.memory_space<hbm>> -> memref<250000x128xf32, #tpu.memory_space<hbm>>
    tpu.enqueue_indirect_dma source(%dma_start3A_93 : memref<250000x128xf32, #tpu.memory_space<hbm>>) target(%dma_start3A_87 : memref<128x128xf32, #tpu.memory_space<vmem>>) offsets(%dma_start3A_90 : memref<128xi32, #tpu.memory_space<vmem>>) semaphore(%arg9 : memref<!tpu.dma_semaphore, #tpu.memory_space<semaphore_mem>>)
    %scan3A = arith.constant 0 : i32
    %scan3A_94 = arith.constant 0 : i32
    %scan3A_95 = arith.constant 104 : i32
    %scan3A_96 = arith.addi %scan3A_94, %scan3A_95 : i32
    %scan3A_97 = arith.constant 1 : i32
    scf.for %scan3A_114 = %scan3A_94 to %scan3A_96 step %scan3A_97  : i32 {
      %and3A = arith.constant 1 : i32
      %and3A_115 = arith.andi %scan3A_114, %and3A : i32
      %shift_right_logical3A_116 = arith.constant 2 : i32
      %shift_right_logical3A_117 = arith.shrui %scan3A_114, %shift_right_logical3A_116 : i32
      %and3A_118 = arith.constant 3 : i32
      %and3A_119 = arith.andi %scan3A_114, %and3A_118 : i32
      %dma_wait3A_120 = arith.constant 0 : i32
      %dma_wait3A_121 = arith.constant 0 : i32
      %dma_wait3A_122 = tpu.memref_slice %arg7[%and3A_115, %dma_wait3A_120, %dma_wait3A_121] : memref<2x128x128xf32, #tpu.memory_space<vmem>> -> memref<1x128x128xf32, #tpu.memory_space<vmem>>
      %dma_wait3A_123 = tpu.memref_squeeze %dma_wait3A_122 : memref<1x128x128xf32, #tpu.memory_space<vmem>> -> memref<128x128xf32, #tpu.memory_space<vmem>>
      %dma_wait3A_124 = arith.constant 0 : i32
      %dma_wait3A_125 = arith.constant 0 : i32
      %dma_wait3A_126 = tpu.memref_slice %arg3[%dma_wait3A_124, %dma_wait3A_125] : memref<250000x128xf32, #tpu.memory_space<hbm>> -> memref<128x128xf32, #tpu.memory_space<hbm>>
      %dma_wait3A_127 = arith.constant 0 : i32
      %dma_wait3A_128 = arith.constant 0 : i32
      %dma_wait3A_129 = tpu.memref_slice %arg7[%and3A_115, %dma_wait3A_127, %dma_wait3A_128] : memref<2x128x128xf32, #tpu.memory_space<vmem>> -> memref<1x128x128xf32, #tpu.memory_space<vmem>>
      %dma_wait3A_130 = tpu.memref_squeeze %dma_wait3A_129 : memref<1x128x128xf32, #tpu.memory_space<vmem>> -> memref<128x128xf32, #tpu.memory_space<vmem>>
      %dma_wait3A_131 = arith.constant 0 : i32
      %dma_wait3A_132 = arith.constant 0 : i32
      %dma_wait3A_133 = tpu.memref_slice %arg3[%dma_wait3A_131, %dma_wait3A_132] : memref<250000x128xf32, #tpu.memory_space<hbm>> -> memref<128x128xf32, #tpu.memory_space<hbm>>
      tpu.wait_dma2 semaphore(%arg9 : memref<!tpu.dma_semaphore, #tpu.memory_space<semaphore_mem>>) src(%dma_wait3A_133 : memref<128x128xf32, #tpu.memory_space<hbm>>) dst(%dma_wait3A_130 : memref<128x128xf32, #tpu.memory_space<vmem>>)
      %gt3A = arith.constant 0 : i32
      %gt3A_134 = arith.cmpi sgt, %scan3A_114, %gt3A : i32
      %convert_element_type3A = arith.extui %gt3A_134 : i1 to i32
      %cond3A = arith.constant 0 : i32
      %cond3A_135 = arith.cmpi ne, %convert_element_type3A, %cond3A : i32
      scf.if %cond3A_135 {
        %dma_wait3A_309 = arith.constant 0 : i32
        %dma_wait3A_310 = arith.constant 0 : i32
        %dma_wait3A_311 = arith.constant 0 : i32
        %dma_wait3A_312 = arith.constant 0 : i32
        %dma_wait3A_313 = tpu.memref_slice %arg8[%dma_wait3A_309, %dma_wait3A_311, %dma_wait3A_312] : memref<2x32x128xf32, #tpu.memory_space<vmem>> -> memref<1x32x128xf32, #tpu.memory_space<vmem>>
        %dma_wait3A_314 = tpu.memref_squeeze %dma_wait3A_313 : memref<1x32x128xf32, #tpu.memory_space<vmem>> -> memref<32x128xf32, #tpu.memory_space<vmem>>
        %dma_wait3A_315 = arith.constant 0 : i32
        %dma_wait3A_316 = tpu.memref_slice %arg4[%dma_wait3A_310, %dma_wait3A_315, %mul3A_2] : memref<26x32x16384xf32, #tpu.memory_space<hbm>> -> memref<1x32x128xf32, #tpu.memory_space<hbm>>
        %dma_wait3A_317 = tpu.memref_squeeze %dma_wait3A_316 : memref<1x32x128xf32, #tpu.memory_space<hbm>> -> memref<32x128xf32, #tpu.memory_space<hbm>>
        %dma_wait3A_318 = arith.constant 0 : i32
        %dma_wait3A_319 = tpu.memref_slice %arg4[%dma_wait3A_310, %dma_wait3A_318, %mul3A_2] : memref<26x32x16384xf32, #tpu.memory_space<hbm>> -> memref<1x32x128xf32, #tpu.memory_space<hbm>>
        %dma_wait3A_320 = tpu.memref_squeeze %dma_wait3A_319 : memref<1x32x128xf32, #tpu.memory_space<hbm>> -> memref<32x128xf32, #tpu.memory_space<hbm>>
        %dma_wait3A_321 = arith.constant 0 : i32
        %dma_wait3A_322 = arith.constant 0 : i32
        %dma_wait3A_323 = tpu.memref_slice %arg8[%dma_wait3A_309, %dma_wait3A_321, %dma_wait3A_322] : memref<2x32x128xf32, #tpu.memory_space<vmem>> -> memref<1x32x128xf32, #tpu.memory_space<vmem>>
        %dma_wait3A_324 = tpu.memref_squeeze %dma_wait3A_323 : memref<1x32x128xf32, #tpu.memory_space<vmem>> -> memref<32x128xf32, #tpu.memory_space<vmem>>
        tpu.wait_dma2 semaphore(%arg10 : memref<!tpu.dma_semaphore, #tpu.memory_space<semaphore_mem>>) src(%dma_wait3A_324 : memref<32x128xf32, #tpu.memory_space<vmem>>) dst(%dma_wait3A_320 : memref<32x128xf32, #tpu.memory_space<hbm>>)
      } else {
      }
      %add3A_136 = arith.constant 1 : i32
      %add3A_137 = arith.addi %scan3A_114, %add3A_136 : i32
      %lt3A = arith.constant 104 : i32
      %lt3A_138 = arith.cmpi slt, %add3A_137, %lt3A : i32
      %convert_element_type3A_139 = arith.extui %lt3A_138 : i1 to i32
      %cond3A_140 = arith.constant 0 : i32
      %cond3A_141 = arith.cmpi ne, %convert_element_type3A_139, %cond3A_140 : i32
      scf.if %cond3A_141 {
        %add3A_309 = arith.constant 1 : i32
        %add3A_310 = arith.addi %scan3A_114, %add3A_309 : i32
        %and3A_311 = arith.constant 7 : i32
        %and3A_312 = arith.andi %add3A_310, %and3A_311 : i32
        %shift_right_logical3A_313 = arith.constant 2 : i32
        %shift_right_logical3A_314 = arith.shrui %add3A_310, %shift_right_logical3A_313 : i32
        %and3A_315 = arith.constant 3 : i32
        %and3A_316 = arith.andi %add3A_310, %and3A_315 : i32
        %mul3A_317 = arith.constant 128 : i32
        %mul3A_318 = arith.muli %and3A_316, %mul3A_317 : i32
        %add3A_319 = arith.constant 0 : i32
        %add3A_320 = arith.addi %mul3A_318, %add3A_319 : i32
        %get3A_321 = arith.index_cast %shift_right_logical3A_314 : i32 to index
        %get3A_322 = arith.index_cast %add3A_320 : i32 to index
        %get3A_323 = tpu.vector_load %arg5[%get3A_321, %get3A_322] {strides = array<i32>} : memref<26x512xi32, #tpu.memory_space<vmem>>, vector<16xi32>,
        %shift_right_logical3A_324 = arith.constant 2 : i32
        %shift_right_logical3A_325 = vector.broadcast %shift_right_logical3A_324 : i32 to vector<16xi32>
        %shift_right_logical3A_326 = arith.shrui %get3A_323, %shift_right_logical3A_325 : vector<16xi32>
        %swap3A_327 = arith.index_cast %and3A_312 : i32 to index
        %swap3A_328 = arith.constant 0 : index
        %swap3A_329 = tpu.vector_load %arg6[%swap3A_327, %swap3A_328] {strides = array<i32>} : memref<8x128xi32, #tpu.memory_space<vmem>>, vector<16xi32>,
        tpu.vector_store %arg6[%swap3A_327, %swap3A_328], %shift_right_logical3A_326 {strides = array<i32>} : memref<8x128xi32, #tpu.memory_space<vmem>>, vector<16xi32>,
        %mul3A_330 = arith.constant 128 : i32
        %mul3A_331 = arith.muli %and3A_316, %mul3A_330 : i32
        %add3A_332 = arith.constant 16 : i32
        %add3A_333 = arith.addi %mul3A_331, %add3A_332 : i32
        %get3A_334 = arith.index_cast %shift_right_logical3A_314 : i32 to index
        %get3A_335 = arith.index_cast %add3A_333 : i32 to index
        %get3A_336 = tpu.vector_load %arg5[%get3A_334, %get3A_335] {strides = array<i32>} : memref<26x512xi32, #tpu.memory_space<vmem>>, vector<16xi32>,
        %shift_right_logical3A_337 = arith.constant 2 : i32
        %shift_right_logical3A_338 = vector.broadcast %shift_right_logical3A_337 : i32 to vector<16xi32>
        %shift_right_logical3A_339 = arith.shrui %get3A_336, %shift_right_logical3A_338 : vector<16xi32>
        %swap3A_340 = arith.index_cast %and3A_312 : i32 to index
        %swap3A_341 = arith.constant 16 : index
        %swap3A_342 = tpu.vector_load %arg6[%swap3A_340, %swap3A_341] {strides = array<i32>} : memref<8x128xi32, #tpu.memory_space<vmem>>, vector<16xi32>,
        tpu.vector_store %arg6[%swap3A_340, %swap3A_341], %shift_right_logical3A_339 {strides = array<i32>} : memref<8x128xi32, #tpu.memory_space<vmem>>, vector<16xi32>,
        %mul3A_343 = arith.constant 128 : i32
        %mul3A_344 = arith.muli %and3A_316, %mul3A_343 : i32
        %add3A_345 = arith.constant 32 : i32
        %add3A_346 = arith.addi %mul3A_344, %add3A_345 : i32
        %get3A_347 = arith.index_cast %shift_right_logical3A_314 : i32 to index
        %get3A_348 = arith.index_cast %add3A_346 : i32 to index
        %get3A_349 = tpu.vector_load %arg5[%get3A_347, %get3A_348] {strides = array<i32>} : memref<26x512xi32, #tpu.memory_space<vmem>>, vector<16xi32>,
        %shift_right_logical3A_350 = arith.constant 2 : i32
        %shift_right_logical3A_351 = vector.broadcast %shift_right_logical3A_350 : i32 to vector<16xi32>
        %shift_right_logical3A_352 = arith.shrui %get3A_349, %shift_right_logical3A_351 : vector<16xi32>
        %swap3A_353 = arith.index_cast %and3A_312 : i32 to index
        %swap3A_354 = arith.constant 32 : index
        %swap3A_355 = tpu.vector_load %arg6[%swap3A_353, %swap3A_354] {strides = array<i32>} : memref<8x128xi32, #tpu.memory_space<vmem>>, vector<16xi32>,
        tpu.vector_store %arg6[%swap3A_353, %swap3A_354], %shift_right_logical3A_352 {strides = array<i32>} : memref<8x128xi32, #tpu.memory_space<vmem>>, vector<16xi32>,
        %mul3A_356 = arith.constant 128 : i32
        %mul3A_357 = arith.muli %and3A_316, %mul3A_356 : i32
        %add3A_358 = arith.constant 48 : i32
        %add3A_359 = arith.addi %mul3A_357, %add3A_358 : i32
        %get3A_360 = arith.index_cast %shift_right_logical3A_314 : i32 to index
        %get3A_361 = arith.index_cast %add3A_359 : i32 to index
        %get3A_362 = tpu.vector_load %arg5[%get3A_360, %get3A_361] {strides = array<i32>} : memref<26x512xi32, #tpu.memory_space<vmem>>, vector<16xi32>,
        %shift_right_logical3A_363 = arith.constant 2 : i32
        %shift_right_logical3A_364 = vector.broadcast %shift_right_logical3A_363 : i32 to vector<16xi32>
        %shift_right_logical3A_365 = arith.shrui %get3A_362, %shift_right_logical3A_364 : vector<16xi32>
        %swap3A_366 = arith.index_cast %and3A_312 : i32 to index
        %swap3A_367 = arith.constant 48 : index
        %swap3A_368 = tpu.vector_load %arg6[%swap3A_366, %swap3A_367] {strides = array<i32>} : memref<8x128xi32, #tpu.memory_space<vmem>>, vector<16xi32>,
        tpu.vector_store %arg6[%swap3A_366, %swap3A_367], %shift_right_logical3A_365 {strides = array<i32>} : memref<8x128xi32, #tpu.memory_space<vmem>>, vector<16xi32>,
        %mul3A_369 = arith.constant 128 : i32
        %mul3A_370 = arith.muli %and3A_316, %mul3A_369 : i32
        %add3A_371 = arith.constant 64 : i32
        %add3A_372 = arith.addi %mul3A_370, %add3A_371 : i32
        %get3A_373 = arith.index_cast %shift_right_logical3A_314 : i32 to index
        %get3A_374 = arith.index_cast %add3A_372 : i32 to index
        %get3A_375 = tpu.vector_load %arg5[%get3A_373, %get3A_374] {strides = array<i32>} : memref<26x512xi32, #tpu.memory_space<vmem>>, vector<16xi32>,
        %shift_right_logical3A_376 = arith.constant 2 : i32
        %shift_right_logical3A_377 = vector.broadcast %shift_right_logical3A_376 : i32 to vector<16xi32>
        %shift_right_logical3A_378 = arith.shrui %get3A_375, %shift_right_logical3A_377 : vector<16xi32>
        %swap3A_379 = arith.index_cast %and3A_312 : i32 to index
        %swap3A_380 = arith.constant 64 : index
        %swap3A_381 = tpu.vector_load %arg6[%swap3A_379, %swap3A_380] {strides = array<i32>} : memref<8x128xi32, #tpu.memory_space<vmem>>, vector<16xi32>,
        tpu.vector_store %arg6[%swap3A_379, %swap3A_380], %shift_right_logical3A_378 {strides = array<i32>} : memref<8x128xi32, #tpu.memory_space<vmem>>, vector<16xi32>,
        %mul3A_382 = arith.constant 128 : i32
        %mul3A_383 = arith.muli %and3A_316, %mul3A_382 : i32
        %add3A_384 = arith.constant 80 : i32
        %add3A_385 = arith.addi %mul3A_383, %add3A_384 : i32
        %get3A_386 = arith.index_cast %shift_right_logical3A_314 : i32 to index
        %get3A_387 = arith.index_cast %add3A_385 : i32 to index
        %get3A_388 = tpu.vector_load %arg5[%get3A_386, %get3A_387] {strides = array<i32>} : memref<26x512xi32, #tpu.memory_space<vmem>>, vector<16xi32>,
        %shift_right_logical3A_389 = arith.constant 2 : i32
        %shift_right_logical3A_390 = vector.broadcast %shift_right_logical3A_389 : i32 to vector<16xi32>
        %shift_right_logical3A_391 = arith.shrui %get3A_388, %shift_right_logical3A_390 : vector<16xi32>
        %swap3A_392 = arith.index_cast %and3A_312 : i32 to index
        %swap3A_393 = arith.constant 80 : index
        %swap3A_394 = tpu.vector_load %arg6[%swap3A_392, %swap3A_393] {strides = array<i32>} : memref<8x128xi32, #tpu.memory_space<vmem>>, vector<16xi32>,
        tpu.vector_store %arg6[%swap3A_392, %swap3A_393], %shift_right_logical3A_391 {strides = array<i32>} : memref<8x128xi32, #tpu.memory_space<vmem>>, vector<16xi32>,
        %mul3A_395 = arith.constant 128 : i32
        %mul3A_396 = arith.muli %and3A_316, %mul3A_395 : i32
        %add3A_397 = arith.constant 96 : i32
        %add3A_398 = arith.addi %mul3A_396, %add3A_397 : i32
        %get3A_399 = arith.index_cast %shift_right_logical3A_314 : i32 to index
        %get3A_400 = arith.index_cast %add3A_398 : i32 to index
        %get3A_401 = tpu.vector_load %arg5[%get3A_399, %get3A_400] {strides = array<i32>} : memref<26x512xi32, #tpu.memory_space<vmem>>, vector<16xi32>,
        %shift_right_logical3A_402 = arith.constant 2 : i32
        %shift_right_logical3A_403 = vector.broadcast %shift_right_logical3A_402 : i32 to vector<16xi32>
        %shift_right_logical3A_404 = arith.shrui %get3A_401, %shift_right_logical3A_403 : vector<16xi32>
        %swap3A_405 = arith.index_cast %and3A_312 : i32 to index
        %swap3A_406 = arith.constant 96 : index
        %swap3A_407 = tpu.vector_load %arg6[%swap3A_405, %swap3A_406] {strides = array<i32>} : memref<8x128xi32, #tpu.memory_space<vmem>>, vector<16xi32>,
        tpu.vector_store %arg6[%swap3A_405, %swap3A_406], %shift_right_logical3A_404 {strides = array<i32>} : memref<8x128xi32, #tpu.memory_space<vmem>>, vector<16xi32>,
        %mul3A_408 = arith.constant 128 : i32
        %mul3A_409 = arith.muli %and3A_316, %mul3A_408 : i32
        %add3A_410 = arith.constant 112 : i32
        %add3A_411 = arith.addi %mul3A_409, %add3A_410 : i32
        %get3A_412 = arith.index_cast %shift_right_logical3A_314 : i32 to index
        %get3A_413 = arith.index_cast %add3A_411 : i32 to index
        %get3A_414 = tpu.vector_load %arg5[%get3A_412, %get3A_413] {strides = array<i32>} : memref<26x512xi32, #tpu.memory_space<vmem>>, vector<16xi32>,
        %shift_right_logical3A_415 = arith.constant 2 : i32
        %shift_right_logical3A_416 = vector.broadcast %shift_right_logical3A_415 : i32 to vector<16xi32>
        %shift_right_logical3A_417 = arith.shrui %get3A_414, %shift_right_logical3A_416 : vector<16xi32>
        %swap3A_418 = arith.index_cast %and3A_312 : i32 to index
        %swap3A_419 = arith.constant 112 : index
        %swap3A_420 = tpu.vector_load %arg6[%swap3A_418, %swap3A_419] {strides = array<i32>} : memref<8x128xi32, #tpu.memory_space<vmem>>, vector<16xi32>,
        tpu.vector_store %arg6[%swap3A_418, %swap3A_419], %shift_right_logical3A_417 {strides = array<i32>} : memref<8x128xi32, #tpu.memory_space<vmem>>, vector<16xi32>,
        %add3A_421 = arith.constant 1 : i32
        %add3A_422 = arith.addi %scan3A_114, %add3A_421 : i32
        %and3A_423 = arith.constant 7 : i32
        %and3A_424 = arith.andi %add3A_422, %and3A_423 : i32
        %and3A_425 = arith.constant 1 : i32
        %and3A_426 = arith.andi %add3A_422, %and3A_425 : i32
        %dma_start3A_427 = arith.constant 0 : i32
        %dma_start3A_428 = arith.constant 0 : i32
        %dma_start3A_429 = tpu.memref_slice %arg7[%and3A_426, %dma_start3A_427, %dma_start3A_428] : memref<2x128x128xf32, #tpu.memory_space<vmem>> -> memref<1x128x128xf32, #tpu.memory_space<vmem>>
        %dma_start3A_430 = tpu.memref_squeeze %dma_start3A_429 : memref<1x128x128xf32, #tpu.memory_space<vmem>> -> memref<128x128xf32, #tpu.memory_space<vmem>>
        %dma_start3A_431 = arith.constant 0 : i32
        %dma_start3A_432 = tpu.memref_slice %arg6[%and3A_424, %dma_start3A_431] : memref<8x128xi32, #tpu.memory_space<vmem>> -> memref<1x128xi32, #tpu.memory_space<vmem>>
        %dma_start3A_433 = tpu.memref_squeeze %dma_start3A_432 : memref<1x128xi32, #tpu.memory_space<vmem>> -> memref<128xi32, #tpu.memory_space<vmem>>
        %dma_start3A_434 = arith.constant 0 : i32
        %dma_start3A_435 = arith.constant 0 : i32
        %dma_start3A_436 = tpu.memref_slice %arg3[%dma_start3A_434, %dma_start3A_435] : memref<250000x128xf32, #tpu.memory_space<hbm>> -> memref<250000x128xf32, #tpu.memory_space<hbm>>
        tpu.enqueue_indirect_dma source(%dma_start3A_436 : memref<250000x128xf32, #tpu.memory_space<hbm>>) target(%dma_start3A_430 : memref<128x128xf32, #tpu.memory_space<vmem>>) offsets(%dma_start3A_433 : memref<128xi32, #tpu.memory_space<vmem>>) semaphore(%arg9 : memref<!tpu.dma_semaphore, #tpu.memory_space<semaphore_mem>>)
      } else {
      }
      %mul3A_142 = arith.constant 128 : i32
      %mul3A_143 = arith.muli %and3A_119, %mul3A_142 : i32
      %add3A_144 = arith.constant 0 : i32
      %add3A_145 = arith.addi %mul3A_143, %add3A_144 : i32
      %get3A_146 = arith.index_cast %shift_right_logical3A_117 : i32 to index
      %get3A_147 = arith.index_cast %add3A_145 : i32 to index
      %get3A_148 = tpu.vector_load %arg5[%get3A_146, %get3A_147] {strides = array<i32>} : memref<26x512xi32, #tpu.memory_space<vmem>>, vector<16xi32>,
      %and3A_149 = arith.constant 3 : i32
      %and3A_150 = vector.broadcast %and3A_149 : i32 to vector<16xi32>
      %and3A_151 = arith.andi %get3A_148, %and3A_150 : vector<16xi32>
      %shift_left3A = arith.constant 5 : i32
      %shift_left3A_152 = vector.broadcast %shift_left3A : i32 to vector<16xi32>
      %shift_left3A_153 = arith.shli %and3A_151, %shift_left3A_152 : vector<16xi32>
      %add3A_154 = arith.constant 0 : i32
      %add3A_155 = vector.broadcast %add3A_154 : i32 to vector<16xi32>
      %add3A_156 = arith.addi %iota3A, %add3A_155 : vector<16xi32>
      %parallel_loop3A = arith.constant 0 : i32
      %parallel_loop3A_157 = arith.constant 32 : i32
      %parallel_loop3A_158 = arith.constant 1 : i32
      scf.for %parallel_loop3A_309 = %parallel_loop3A to %parallel_loop3A_157 step %parallel_loop3A_158  : i32 {
        %parallel_loop3A_310 = vector.broadcast %parallel_loop3A_309 : i32 to vector<16xi32>
        %parallel_loop3A_311 = arith.addi %shift_left3A_153, %parallel_loop3A_310 : vector<16xi32>
        %parallel_loop3A_312 = arith.constant 0 : i32
        %parallel_loop3A_313 = arith.constant 0 : i32
        %parallel_loop3A_314 = tpu.memref_slice %arg7[%and3A_115, %parallel_loop3A_312, %parallel_loop3A_313] : memref<2x128x128xf32, #tpu.memory_space<vmem>> -> memref<1x128x128xf32, #tpu.memory_space<vmem>>
        %parallel_loop3A_315 = tpu.memref_squeeze %parallel_loop3A_314 : memref<1x128x128xf32, #tpu.memory_space<vmem>> -> memref<128x128xf32, #tpu.memory_space<vmem>>
        %parallel_loop3A_316 = tpu.vector_load_idx %parallel_loop3A_315[%add3A_156, %parallel_loop3A_311] : memref<128x128xf32, #tpu.memory_space<vmem>>[vector<16xi32>, vector<16xi32>], vector<16xf32>,
        %parallel_loop3A_317 = arith.constant 5.65685415 : f32
        %parallel_loop3A_318 = vector.broadcast %parallel_loop3A_317 : f32 to vector<16xf32>
        %parallel_loop3A_319 = arith.mulf %parallel_loop3A_316, %parallel_loop3A_318 : vector<16xf32>
        %parallel_loop3A_320 = arith.index_cast %and3A_115 : i32 to index
        %parallel_loop3A_321 = arith.index_cast %parallel_loop3A_309 : i32 to index
        %parallel_loop3A_322 = arith.constant 0 : index
        %parallel_loop3A_323 = tpu.vector_load %arg8[%parallel_loop3A_320, %parallel_loop3A_321, %parallel_loop3A_322] {strides = array<i32>} : memref<2x32x128xf32, #tpu.memory_space<vmem>>, vector<16xf32>,
        tpu.vector_store %arg8[%parallel_loop3A_320, %parallel_loop3A_321, %parallel_loop3A_322], %parallel_loop3A_319 {strides = array<i32>} : memref<2x32x128xf32, #tpu.memory_space<vmem>>, vector<16xf32>,
      } {sc.loop_unroll_factor = 8 : i64, sc.parallel_access}
      %mul3A_159 = arith.constant 128 : i32
      %mul3A_160 = arith.muli %and3A_119, %mul3A_159 : i32
      %add3A_161 = arith.constant 16 : i32
      %add3A_162 = arith.addi %mul3A_160, %add3A_161 : i32
      %get3A_163 = arith.index_cast %shift_right_logical3A_117 : i32 to index
      %get3A_164 = arith.index_cast %add3A_162 : i32 to index
      %get3A_165 = tpu.vector_load %arg5[%get3A_163, %get3A_164] {strides = array<i32>} : memref<26x512xi32, #tpu.memory_space<vmem>>, vector<16xi32>,
      %and3A_166 = arith.constant 3 : i32
      %and3A_167 = vector.broadcast %and3A_166 : i32 to vector<16xi32>
      %and3A_168 = arith.andi %get3A_165, %and3A_167 : vector<16xi32>
      %shift_left3A_169 = arith.constant 5 : i32
      %shift_left3A_170 = vector.broadcast %shift_left3A_169 : i32 to vector<16xi32>
      %shift_left3A_171 = arith.shli %and3A_168, %shift_left3A_170 : vector<16xi32>
      %add3A_172 = arith.constant 16 : i32
      %add3A_173 = vector.broadcast %add3A_172 : i32 to vector<16xi32>
      %add3A_174 = arith.addi %iota3A, %add3A_173 : vector<16xi32>
      %parallel_loop3A_175 = arith.constant 0 : i32
      %parallel_loop3A_176 = arith.constant 32 : i32
      %parallel_loop3A_177 = arith.constant 1 : i32
      scf.for %parallel_loop3A_309 = %parallel_loop3A_175 to %parallel_loop3A_176 step %parallel_loop3A_177  : i32 {
        %parallel_loop3A_310 = vector.broadcast %parallel_loop3A_309 : i32 to vector<16xi32>
        %parallel_loop3A_311 = arith.addi %shift_left3A_171, %parallel_loop3A_310 : vector<16xi32>
        %parallel_loop3A_312 = arith.constant 0 : i32
        %parallel_loop3A_313 = arith.constant 0 : i32
        %parallel_loop3A_314 = tpu.memref_slice %arg7[%and3A_115, %parallel_loop3A_312, %parallel_loop3A_313] : memref<2x128x128xf32, #tpu.memory_space<vmem>> -> memref<1x128x128xf32, #tpu.memory_space<vmem>>
        %parallel_loop3A_315 = tpu.memref_squeeze %parallel_loop3A_314 : memref<1x128x128xf32, #tpu.memory_space<vmem>> -> memref<128x128xf32, #tpu.memory_space<vmem>>
        %parallel_loop3A_316 = tpu.vector_load_idx %parallel_loop3A_315[%add3A_174, %parallel_loop3A_311] : memref<128x128xf32, #tpu.memory_space<vmem>>[vector<16xi32>, vector<16xi32>], vector<16xf32>,
        %parallel_loop3A_317 = arith.constant 5.65685415 : f32
        %parallel_loop3A_318 = vector.broadcast %parallel_loop3A_317 : f32 to vector<16xf32>
        %parallel_loop3A_319 = arith.mulf %parallel_loop3A_316, %parallel_loop3A_318 : vector<16xf32>
        %parallel_loop3A_320 = arith.index_cast %and3A_115 : i32 to index
        %parallel_loop3A_321 = arith.index_cast %parallel_loop3A_309 : i32 to index
        %parallel_loop3A_322 = arith.constant 16 : index
        %parallel_loop3A_323 = tpu.vector_load %arg8[%parallel_loop3A_320, %parallel_loop3A_321, %parallel_loop3A_322] {strides = array<i32>} : memref<2x32x128xf32, #tpu.memory_space<vmem>>, vector<16xf32>,
        tpu.vector_store %arg8[%parallel_loop3A_320, %parallel_loop3A_321, %parallel_loop3A_322], %parallel_loop3A_319 {strides = array<i32>} : memref<2x32x128xf32, #tpu.memory_space<vmem>>, vector<16xf32>,
      } {sc.loop_unroll_factor = 8 : i64, sc.parallel_access}
      %mul3A_178 = arith.constant 128 : i32
      %mul3A_179 = arith.muli %and3A_119, %mul3A_178 : i32
      %add3A_180 = arith.constant 32 : i32
      %add3A_181 = arith.addi %mul3A_179, %add3A_180 : i32
      %get3A_182 = arith.index_cast %shift_right_logical3A_117 : i32 to index
      %get3A_183 = arith.index_cast %add3A_181 : i32 to index
      %get3A_184 = tpu.vector_load %arg5[%get3A_182, %get3A_183] {strides = array<i32>} : memref<26x512xi32, #tpu.memory_space<vmem>>, vector<16xi32>,
      %and3A_185 = arith.constant 3 : i32
      %and3A_186 = vector.broadcast %and3A_185 : i32 to vector<16xi32>
      %and3A_187 = arith.andi %get3A_184, %and3A_186 : vector<16xi32>
      %shift_left3A_188 = arith.constant 5 : i32
      %shift_left3A_189 = vector.broadcast %shift_left3A_188 : i32 to vector<16xi32>
      %shift_left3A_190 = arith.shli %and3A_187, %shift_left3A_189 : vector<16xi32>
      %add3A_191 = arith.constant 32 : i32
      %add3A_192 = vector.broadcast %add3A_191 : i32 to vector<16xi32>
      %add3A_193 = arith.addi %iota3A, %add3A_192 : vector<16xi32>
      %parallel_loop3A_194 = arith.constant 0 : i32
      %parallel_loop3A_195 = arith.constant 32 : i32
      %parallel_loop3A_196 = arith.constant 1 : i32
      scf.for %parallel_loop3A_309 = %parallel_loop3A_194 to %parallel_loop3A_195 step %parallel_loop3A_196  : i32 {
        %parallel_loop3A_310 = vector.broadcast %parallel_loop3A_309 : i32 to vector<16xi32>
        %parallel_loop3A_311 = arith.addi %shift_left3A_190, %parallel_loop3A_310 : vector<16xi32>
        %parallel_loop3A_312 = arith.constant 0 : i32
        %parallel_loop3A_313 = arith.constant 0 : i32
        %parallel_loop3A_314 = tpu.memref_slice %arg7[%and3A_115, %parallel_loop3A_312, %parallel_loop3A_313] : memref<2x128x128xf32, #tpu.memory_space<vmem>> -> memref<1x128x128xf32, #tpu.memory_space<vmem>>
        %parallel_loop3A_315 = tpu.memref_squeeze %parallel_loop3A_314 : memref<1x128x128xf32, #tpu.memory_space<vmem>> -> memref<128x128xf32, #tpu.memory_space<vmem>>
        %parallel_loop3A_316 = tpu.vector_load_idx %parallel_loop3A_315[%add3A_193, %parallel_loop3A_311] : memref<128x128xf32, #tpu.memory_space<vmem>>[vector<16xi32>, vector<16xi32>], vector<16xf32>,
        %parallel_loop3A_317 = arith.constant 5.65685415 : f32
        %parallel_loop3A_318 = vector.broadcast %parallel_loop3A_317 : f32 to vector<16xf32>
        %parallel_loop3A_319 = arith.mulf %parallel_loop3A_316, %parallel_loop3A_318 : vector<16xf32>
        %parallel_loop3A_320 = arith.index_cast %and3A_115 : i32 to index
        %parallel_loop3A_321 = arith.index_cast %parallel_loop3A_309 : i32 to index
        %parallel_loop3A_322 = arith.constant 32 : index
        %parallel_loop3A_323 = tpu.vector_load %arg8[%parallel_loop3A_320, %parallel_loop3A_321, %parallel_loop3A_322] {strides = array<i32>} : memref<2x32x128xf32, #tpu.memory_space<vmem>>, vector<16xf32>,
        tpu.vector_store %arg8[%parallel_loop3A_320, %parallel_loop3A_321, %parallel_loop3A_322], %parallel_loop3A_319 {strides = array<i32>} : memref<2x32x128xf32, #tpu.memory_space<vmem>>, vector<16xf32>,
      } {sc.loop_unroll_factor = 8 : i64, sc.parallel_access}
      %mul3A_197 = arith.constant 128 : i32
      %mul3A_198 = arith.muli %and3A_119, %mul3A_197 : i32
      %add3A_199 = arith.constant 48 : i32
      %add3A_200 = arith.addi %mul3A_198, %add3A_199 : i32
      %get3A_201 = arith.index_cast %shift_right_logical3A_117 : i32 to index
      %get3A_202 = arith.index_cast %add3A_200 : i32 to index
      %get3A_203 = tpu.vector_load %arg5[%get3A_201, %get3A_202] {strides = array<i32>} : memref<26x512xi32, #tpu.memory_space<vmem>>, vector<16xi32>,
      %and3A_204 = arith.constant 3 : i32
      %and3A_205 = vector.broadcast %and3A_204 : i32 to vector<16xi32>
      %and3A_206 = arith.andi %get3A_203, %and3A_205 : vector<16xi32>
      %shift_left3A_207 = arith.constant 5 : i32
      %shift_left3A_208 = vector.broadcast %shift_left3A_207 : i32 to vector<16xi32>
      %shift_left3A_209 = arith.shli %and3A_206, %shift_left3A_208 : vector<16xi32>
      %add3A_210 = arith.constant 48 : i32
      %add3A_211 = vector.broadcast %add3A_210 : i32 to vector<16xi32>
      %add3A_212 = arith.addi %iota3A, %add3A_211 : vector<16xi32>
      %parallel_loop3A_213 = arith.constant 0 : i32
      %parallel_loop3A_214 = arith.constant 32 : i32
      %parallel_loop3A_215 = arith.constant 1 : i32
      scf.for %parallel_loop3A_309 = %parallel_loop3A_213 to %parallel_loop3A_214 step %parallel_loop3A_215  : i32 {
        %parallel_loop3A_310 = vector.broadcast %parallel_loop3A_309 : i32 to vector<16xi32>
        %parallel_loop3A_311 = arith.addi %shift_left3A_209, %parallel_loop3A_310 : vector<16xi32>
        %parallel_loop3A_312 = arith.constant 0 : i32
        %parallel_loop3A_313 = arith.constant 0 : i32
        %parallel_loop3A_314 = tpu.memref_slice %arg7[%and3A_115, %parallel_loop3A_312, %parallel_loop3A_313] : memref<2x128x128xf32, #tpu.memory_space<vmem>> -> memref<1x128x128xf32, #tpu.memory_space<vmem>>
        %parallel_loop3A_315 = tpu.memref_squeeze %parallel_loop3A_314 : memref<1x128x128xf32, #tpu.memory_space<vmem>> -> memref<128x128xf32, #tpu.memory_space<vmem>>
        %parallel_loop3A_316 = tpu.vector_load_idx %parallel_loop3A_315[%add3A_212, %parallel_loop3A_311] : memref<128x128xf32, #tpu.memory_space<vmem>>[vector<16xi32>, vector<16xi32>], vector<16xf32>,
        %parallel_loop3A_317 = arith.constant 5.65685415 : f32
        %parallel_loop3A_318 = vector.broadcast %parallel_loop3A_317 : f32 to vector<16xf32>
        %parallel_loop3A_319 = arith.mulf %parallel_loop3A_316, %parallel_loop3A_318 : vector<16xf32>
        %parallel_loop3A_320 = arith.index_cast %and3A_115 : i32 to index
        %parallel_loop3A_321 = arith.index_cast %parallel_loop3A_309 : i32 to index
        %parallel_loop3A_322 = arith.constant 48 : index
        %parallel_loop3A_323 = tpu.vector_load %arg8[%parallel_loop3A_320, %parallel_loop3A_321, %parallel_loop3A_322] {strides = array<i32>} : memref<2x32x128xf32, #tpu.memory_space<vmem>>, vector<16xf32>,
        tpu.vector_store %arg8[%parallel_loop3A_320, %parallel_loop3A_321, %parallel_loop3A_322], %parallel_loop3A_319 {strides = array<i32>} : memref<2x32x128xf32, #tpu.memory_space<vmem>>, vector<16xf32>,
      } {sc.loop_unroll_factor = 8 : i64, sc.parallel_access}
      %mul3A_216 = arith.constant 128 : i32
      %mul3A_217 = arith.muli %and3A_119, %mul3A_216 : i32
      %add3A_218 = arith.constant 64 : i32
      %add3A_219 = arith.addi %mul3A_217, %add3A_218 : i32
      %get3A_220 = arith.index_cast %shift_right_logical3A_117 : i32 to index
      %get3A_221 = arith.index_cast %add3A_219 : i32 to index
      %get3A_222 = tpu.vector_load %arg5[%get3A_220, %get3A_221] {strides = array<i32>} : memref<26x512xi32, #tpu.memory_space<vmem>>, vector<16xi32>,
      %and3A_223 = arith.constant 3 : i32
      %and3A_224 = vector.broadcast %and3A_223 : i32 to vector<16xi32>
      %and3A_225 = arith.andi %get3A_222, %and3A_224 : vector<16xi32>
      %shift_left3A_226 = arith.constant 5 : i32
      %shift_left3A_227 = vector.broadcast %shift_left3A_226 : i32 to vector<16xi32>
      %shift_left3A_228 = arith.shli %and3A_225, %shift_left3A_227 : vector<16xi32>
      %add3A_229 = arith.constant 64 : i32
      %add3A_230 = vector.broadcast %add3A_229 : i32 to vector<16xi32>
      %add3A_231 = arith.addi %iota3A, %add3A_230 : vector<16xi32>
      %parallel_loop3A_232 = arith.constant 0 : i32
      %parallel_loop3A_233 = arith.constant 32 : i32
      %parallel_loop3A_234 = arith.constant 1 : i32
      scf.for %parallel_loop3A_309 = %parallel_loop3A_232 to %parallel_loop3A_233 step %parallel_loop3A_234  : i32 {
        %parallel_loop3A_310 = vector.broadcast %parallel_loop3A_309 : i32 to vector<16xi32>
        %parallel_loop3A_311 = arith.addi %shift_left3A_228, %parallel_loop3A_310 : vector<16xi32>
        %parallel_loop3A_312 = arith.constant 0 : i32
        %parallel_loop3A_313 = arith.constant 0 : i32
        %parallel_loop3A_314 = tpu.memref_slice %arg7[%and3A_115, %parallel_loop3A_312, %parallel_loop3A_313] : memref<2x128x128xf32, #tpu.memory_space<vmem>> -> memref<1x128x128xf32, #tpu.memory_space<vmem>>
        %parallel_loop3A_315 = tpu.memref_squeeze %parallel_loop3A_314 : memref<1x128x128xf32, #tpu.memory_space<vmem>> -> memref<128x128xf32, #tpu.memory_space<vmem>>
        %parallel_loop3A_316 = tpu.vector_load_idx %parallel_loop3A_315[%add3A_231, %parallel_loop3A_311] : memref<128x128xf32, #tpu.memory_space<vmem>>[vector<16xi32>, vector<16xi32>], vector<16xf32>,
        %parallel_loop3A_317 = arith.constant 5.65685415 : f32
        %parallel_loop3A_318 = vector.broadcast %parallel_loop3A_317 : f32 to vector<16xf32>
        %parallel_loop3A_319 = arith.mulf %parallel_loop3A_316, %parallel_loop3A_318 : vector<16xf32>
        %parallel_loop3A_320 = arith.index_cast %and3A_115 : i32 to index
        %parallel_loop3A_321 = arith.index_cast %parallel_loop3A_309 : i32 to index
        %parallel_loop3A_322 = arith.constant 64 : index
        %parallel_loop3A_323 = tpu.vector_load %arg8[%parallel_loop3A_320, %parallel_loop3A_321, %parallel_loop3A_322] {strides = array<i32>} : memref<2x32x128xf32, #tpu.memory_space<vmem>>, vector<16xf32>,
        tpu.vector_store %arg8[%parallel_loop3A_320, %parallel_loop3A_321, %parallel_loop3A_322], %parallel_loop3A_319 {strides = array<i32>} : memref<2x32x128xf32, #tpu.memory_space<vmem>>, vector<16xf32>,
      } {sc.loop_unroll_factor = 8 : i64, sc.parallel_access}
      %mul3A_235 = arith.constant 128 : i32
      %mul3A_236 = arith.muli %and3A_119, %mul3A_235 : i32
      %add3A_237 = arith.constant 80 : i32
      %add3A_238 = arith.addi %mul3A_236, %add3A_237 : i32
      %get3A_239 = arith.index_cast %shift_right_logical3A_117 : i32 to index
      %get3A_240 = arith.index_cast %add3A_238 : i32 to index
      %get3A_241 = tpu.vector_load %arg5[%get3A_239, %get3A_240] {strides = array<i32>} : memref<26x512xi32, #tpu.memory_space<vmem>>, vector<16xi32>,
      %and3A_242 = arith.constant 3 : i32
      %and3A_243 = vector.broadcast %and3A_242 : i32 to vector<16xi32>
      %and3A_244 = arith.andi %get3A_241, %and3A_243 : vector<16xi32>
      %shift_left3A_245 = arith.constant 5 : i32
      %shift_left3A_246 = vector.broadcast %shift_left3A_245 : i32 to vector<16xi32>
      %shift_left3A_247 = arith.shli %and3A_244, %shift_left3A_246 : vector<16xi32>
      %add3A_248 = arith.constant 80 : i32
      %add3A_249 = vector.broadcast %add3A_248 : i32 to vector<16xi32>
      %add3A_250 = arith.addi %iota3A, %add3A_249 : vector<16xi32>
      %parallel_loop3A_251 = arith.constant 0 : i32
      %parallel_loop3A_252 = arith.constant 32 : i32
      %parallel_loop3A_253 = arith.constant 1 : i32
      scf.for %parallel_loop3A_309 = %parallel_loop3A_251 to %parallel_loop3A_252 step %parallel_loop3A_253  : i32 {
        %parallel_loop3A_310 = vector.broadcast %parallel_loop3A_309 : i32 to vector<16xi32>
        %parallel_loop3A_311 = arith.addi %shift_left3A_247, %parallel_loop3A_310 : vector<16xi32>
        %parallel_loop3A_312 = arith.constant 0 : i32
        %parallel_loop3A_313 = arith.constant 0 : i32
        %parallel_loop3A_314 = tpu.memref_slice %arg7[%and3A_115, %parallel_loop3A_312, %parallel_loop3A_313] : memref<2x128x128xf32, #tpu.memory_space<vmem>> -> memref<1x128x128xf32, #tpu.memory_space<vmem>>
        %parallel_loop3A_315 = tpu.memref_squeeze %parallel_loop3A_314 : memref<1x128x128xf32, #tpu.memory_space<vmem>> -> memref<128x128xf32, #tpu.memory_space<vmem>>
        %parallel_loop3A_316 = tpu.vector_load_idx %parallel_loop3A_315[%add3A_250, %parallel_loop3A_311] : memref<128x128xf32, #tpu.memory_space<vmem>>[vector<16xi32>, vector<16xi32>], vector<16xf32>,
        %parallel_loop3A_317 = arith.constant 5.65685415 : f32
        %parallel_loop3A_318 = vector.broadcast %parallel_loop3A_317 : f32 to vector<16xf32>
        %parallel_loop3A_319 = arith.mulf %parallel_loop3A_316, %parallel_loop3A_318 : vector<16xf32>
        %parallel_loop3A_320 = arith.index_cast %and3A_115 : i32 to index
        %parallel_loop3A_321 = arith.index_cast %parallel_loop3A_309 : i32 to index
        %parallel_loop3A_322 = arith.constant 80 : index
        %parallel_loop3A_323 = tpu.vector_load %arg8[%parallel_loop3A_320, %parallel_loop3A_321, %parallel_loop3A_322] {strides = array<i32>} : memref<2x32x128xf32, #tpu.memory_space<vmem>>, vector<16xf32>,
        tpu.vector_store %arg8[%parallel_loop3A_320, %parallel_loop3A_321, %parallel_loop3A_322], %parallel_loop3A_319 {strides = array<i32>} : memref<2x32x128xf32, #tpu.memory_space<vmem>>, vector<16xf32>,
      } {sc.loop_unroll_factor = 8 : i64, sc.parallel_access}
      %mul3A_254 = arith.constant 128 : i32
      %mul3A_255 = arith.muli %and3A_119, %mul3A_254 : i32
      %add3A_256 = arith.constant 96 : i32
      %add3A_257 = arith.addi %mul3A_255, %add3A_256 : i32
      %get3A_258 = arith.index_cast %shift_right_logical3A_117 : i32 to index
      %get3A_259 = arith.index_cast %add3A_257 : i32 to index
      %get3A_260 = tpu.vector_load %arg5[%get3A_258, %get3A_259] {strides = array<i32>} : memref<26x512xi32, #tpu.memory_space<vmem>>, vector<16xi32>,
      %and3A_261 = arith.constant 3 : i32
      %and3A_262 = vector.broadcast %and3A_261 : i32 to vector<16xi32>
      %and3A_263 = arith.andi %get3A_260, %and3A_262 : vector<16xi32>
      %shift_left3A_264 = arith.constant 5 : i32
      %shift_left3A_265 = vector.broadcast %shift_left3A_264 : i32 to vector<16xi32>
      %shift_left3A_266 = arith.shli %and3A_263, %shift_left3A_265 : vector<16xi32>
      %add3A_267 = arith.constant 96 : i32
      %add3A_268 = vector.broadcast %add3A_267 : i32 to vector<16xi32>
      %add3A_269 = arith.addi %iota3A, %add3A_268 : vector<16xi32>
      %parallel_loop3A_270 = arith.constant 0 : i32
      %parallel_loop3A_271 = arith.constant 32 : i32
      %parallel_loop3A_272 = arith.constant 1 : i32
      scf.for %parallel_loop3A_309 = %parallel_loop3A_270 to %parallel_loop3A_271 step %parallel_loop3A_272  : i32 {
        %parallel_loop3A_310 = vector.broadcast %parallel_loop3A_309 : i32 to vector<16xi32>
        %parallel_loop3A_311 = arith.addi %shift_left3A_266, %parallel_loop3A_310 : vector<16xi32>
        %parallel_loop3A_312 = arith.constant 0 : i32
        %parallel_loop3A_313 = arith.constant 0 : i32
        %parallel_loop3A_314 = tpu.memref_slice %arg7[%and3A_115, %parallel_loop3A_312, %parallel_loop3A_313] : memref<2x128x128xf32, #tpu.memory_space<vmem>> -> memref<1x128x128xf32, #tpu.memory_space<vmem>>
        %parallel_loop3A_315 = tpu.memref_squeeze %parallel_loop3A_314 : memref<1x128x128xf32, #tpu.memory_space<vmem>> -> memref<128x128xf32, #tpu.memory_space<vmem>>
        %parallel_loop3A_316 = tpu.vector_load_idx %parallel_loop3A_315[%add3A_269, %parallel_loop3A_311] : memref<128x128xf32, #tpu.memory_space<vmem>>[vector<16xi32>, vector<16xi32>], vector<16xf32>,
        %parallel_loop3A_317 = arith.constant 5.65685415 : f32
        %parallel_loop3A_318 = vector.broadcast %parallel_loop3A_317 : f32 to vector<16xf32>
        %parallel_loop3A_319 = arith.mulf %parallel_loop3A_316, %parallel_loop3A_318 : vector<16xf32>
        %parallel_loop3A_320 = arith.index_cast %and3A_115 : i32 to index
        %parallel_loop3A_321 = arith.index_cast %parallel_loop3A_309 : i32 to index
        %parallel_loop3A_322 = arith.constant 96 : index
        %parallel_loop3A_323 = tpu.vector_load %arg8[%parallel_loop3A_320, %parallel_loop3A_321, %parallel_loop3A_322] {strides = array<i32>} : memref<2x32x128xf32, #tpu.memory_space<vmem>>, vector<16xf32>,
        tpu.vector_store %arg8[%parallel_loop3A_320, %parallel_loop3A_321, %parallel_loop3A_322], %parallel_loop3A_319 {strides = array<i32>} : memref<2x32x128xf32, #tpu.memory_space<vmem>>, vector<16xf32>,
      } {sc.loop_unroll_factor = 8 : i64, sc.parallel_access}
      %mul3A_273 = arith.constant 128 : i32
      %mul3A_274 = arith.muli %and3A_119, %mul3A_273 : i32
      %add3A_275 = arith.constant 112 : i32
      %add3A_276 = arith.addi %mul3A_274, %add3A_275 : i32
      %get3A_277 = arith.index_cast %shift_right_logical3A_117 : i32 to index
      %get3A_278 = arith.index_cast %add3A_276 : i32 to index
      %get3A_279 = tpu.vector_load %arg5[%get3A_277, %get3A_278] {strides = array<i32>} : memref<26x512xi32, #tpu.memory_space<vmem>>, vector<16xi32>,
      %and3A_280 = arith.constant 3 : i32
      %and3A_281 = vector.broadcast %and3A_280 : i32 to vector<16xi32>
      %and3A_282 = arith.andi %get3A_279, %and3A_281 : vector<16xi32>
      %shift_left3A_283 = arith.constant 5 : i32
      %shift_left3A_284 = vector.broadcast %shift_left3A_283 : i32 to vector<16xi32>
      %shift_left3A_285 = arith.shli %and3A_282, %shift_left3A_284 : vector<16xi32>
      %add3A_286 = arith.constant 112 : i32
      %add3A_287 = vector.broadcast %add3A_286 : i32 to vector<16xi32>
      %add3A_288 = arith.addi %iota3A, %add3A_287 : vector<16xi32>
      %parallel_loop3A_289 = arith.constant 0 : i32
      %parallel_loop3A_290 = arith.constant 32 : i32
      %parallel_loop3A_291 = arith.constant 1 : i32
      scf.for %parallel_loop3A_309 = %parallel_loop3A_289 to %parallel_loop3A_290 step %parallel_loop3A_291  : i32 {
        %parallel_loop3A_310 = vector.broadcast %parallel_loop3A_309 : i32 to vector<16xi32>
        %parallel_loop3A_311 = arith.addi %shift_left3A_285, %parallel_loop3A_310 : vector<16xi32>
        %parallel_loop3A_312 = arith.constant 0 : i32
        %parallel_loop3A_313 = arith.constant 0 : i32
        %parallel_loop3A_314 = tpu.memref_slice %arg7[%and3A_115, %parallel_loop3A_312, %parallel_loop3A_313] : memref<2x128x128xf32, #tpu.memory_space<vmem>> -> memref<1x128x128xf32, #tpu.memory_space<vmem>>
        %parallel_loop3A_315 = tpu.memref_squeeze %parallel_loop3A_314 : memref<1x128x128xf32, #tpu.memory_space<vmem>> -> memref<128x128xf32, #tpu.memory_space<vmem>>
        %parallel_loop3A_316 = tpu.vector_load_idx %parallel_loop3A_315[%add3A_288, %parallel_loop3A_311] : memref<128x128xf32, #tpu.memory_space<vmem>>[vector<16xi32>, vector<16xi32>], vector<16xf32>,
        %parallel_loop3A_317 = arith.constant 5.65685415 : f32
        %parallel_loop3A_318 = vector.broadcast %parallel_loop3A_317 : f32 to vector<16xf32>
        %parallel_loop3A_319 = arith.mulf %parallel_loop3A_316, %parallel_loop3A_318 : vector<16xf32>
        %parallel_loop3A_320 = arith.index_cast %and3A_115 : i32 to index
        %parallel_loop3A_321 = arith.index_cast %parallel_loop3A_309 : i32 to index
        %parallel_loop3A_322 = arith.constant 112 : index
        %parallel_loop3A_323 = tpu.vector_load %arg8[%parallel_loop3A_320, %parallel_loop3A_321, %parallel_loop3A_322] {strides = array<i32>} : memref<2x32x128xf32, #tpu.memory_space<vmem>>, vector<16xf32>,
        tpu.vector_store %arg8[%parallel_loop3A_320, %parallel_loop3A_321, %parallel_loop3A_322], %parallel_loop3A_319 {strides = array<i32>} : memref<2x32x128xf32, #tpu.memory_space<vmem>>, vector<16xf32>,
      } {sc.loop_unroll_factor = 8 : i64, sc.parallel_access}
      %mul3A_292 = arith.constant 128 : i32
      %mul3A_293 = arith.muli %and3A_119, %mul3A_292 : i32
      %add3A_294 = arith.addi %mul3A_2, %mul3A_293 : i32
      %dma_start3A_295 = arith.constant 0 : i32
      %dma_start3A_296 = arith.constant 0 : i32
      %dma_start3A_297 = tpu.memref_slice %arg8[%and3A_115, %dma_start3A_295, %dma_start3A_296] : memref<2x32x128xf32, #tpu.memory_space<vmem>> -> memref<1x32x128xf32, #tpu.memory_space<vmem>>
      %dma_start3A_298 = tpu.memref_squeeze %dma_start3A_297 : memref<1x32x128xf32, #tpu.memory_space<vmem>> -> memref<32x128xf32, #tpu.memory_space<vmem>>
      %dma_start3A_299 = arith.constant 0 : i32
      %dma_start3A_300 = tpu.memref_slice %arg4[%shift_right_logical3A_117, %dma_start3A_299, %add3A_294] : memref<26x32x16384xf32, #tpu.memory_space<hbm>> -> memref<1x32x128xf32, #tpu.memory_space<hbm>>
      %dma_start3A_301 = tpu.memref_squeeze %dma_start3A_300 : memref<1x32x128xf32, #tpu.memory_space<hbm>> -> memref<32x128xf32, #tpu.memory_space<hbm>>
      %dma_start3A_302 = arith.constant 0 : i32
      %dma_start3A_303 = tpu.memref_slice %arg4[%shift_right_logical3A_117, %dma_start3A_302, %add3A_294] : memref<26x32x16384xf32, #tpu.memory_space<hbm>> -> memref<1x32x128xf32, #tpu.memory_space<hbm>>
      %dma_start3A_304 = tpu.memref_squeeze %dma_start3A_303 : memref<1x32x128xf32, #tpu.memory_space<hbm>> -> memref<32x128xf32, #tpu.memory_space<hbm>>
      %dma_start3A_305 = arith.constant 0 : i32
      %dma_start3A_306 = arith.constant 0 : i32
      %dma_start3A_307 = tpu.memref_slice %arg8[%and3A_115, %dma_start3A_305, %dma_start3A_306] : memref<2x32x128xf32, #tpu.memory_space<vmem>> -> memref<1x32x128xf32, #tpu.memory_space<vmem>>
      %dma_start3A_308 = tpu.memref_squeeze %dma_start3A_307 : memref<1x32x128xf32, #tpu.memory_space<vmem>> -> memref<32x128xf32, #tpu.memory_space<vmem>>
      tpu.enqueue_dma source(%dma_start3A_308 : memref<32x128xf32, #tpu.memory_space<vmem>>) target(%dma_start3A_304 : memref<32x128xf32, #tpu.memory_space<hbm>>) target_semaphore(%arg10 : memref<!tpu.dma_semaphore, #tpu.memory_space<semaphore_mem>>)
    }
    %scan3A_98 = arith.constant 104 : i32
    %dma_wait3A = arith.constant 0 : i32
    %dma_wait3A_99 = arith.constant 0 : i32
    %dma_wait3A_100 = arith.constant 0 : i32
    %dma_wait3A_101 = arith.constant 0 : i32
    %dma_wait3A_102 = tpu.memref_slice %arg8[%dma_wait3A, %dma_wait3A_100, %dma_wait3A_101] : memref<2x32x128xf32, #tpu.memory_space<vmem>> -> memref<1x32x128xf32, #tpu.memory_space<vmem>>
    %dma_wait3A_103 = tpu.memref_squeeze %dma_wait3A_102 : memref<1x32x128xf32, #tpu.memory_space<vmem>> -> memref<32x128xf32, #tpu.memory_space<vmem>>
    %dma_wait3A_104 = arith.constant 0 : i32
    %dma_wait3A_105 = tpu.memref_slice %arg4[%dma_wait3A_99, %dma_wait3A_104, %mul3A_2] : memref<26x32x16384xf32, #tpu.memory_space<hbm>> -> memref<1x32x128xf32, #tpu.memory_space<hbm>>
    %dma_wait3A_106 = tpu.memref_squeeze %dma_wait3A_105 : memref<1x32x128xf32, #tpu.memory_space<hbm>> -> memref<32x128xf32, #tpu.memory_space<hbm>>
    %dma_wait3A_107 = arith.constant 0 : i32
    %dma_wait3A_108 = tpu.memref_slice %arg4[%dma_wait3A_99, %dma_wait3A_107, %mul3A_2] : memref<26x32x16384xf32, #tpu.memory_space<hbm>> -> memref<1x32x128xf32, #tpu.memory_space<hbm>>
    %dma_wait3A_109 = tpu.memref_squeeze %dma_wait3A_108 : memref<1x32x128xf32, #tpu.memory_space<hbm>> -> memref<32x128xf32, #tpu.memory_space<hbm>>
    %dma_wait3A_110 = arith.constant 0 : i32
    %dma_wait3A_111 = arith.constant 0 : i32
    %dma_wait3A_112 = tpu.memref_slice %arg8[%dma_wait3A, %dma_wait3A_110, %dma_wait3A_111] : memref<2x32x128xf32, #tpu.memory_space<vmem>> -> memref<1x32x128xf32, #tpu.memory_space<vmem>>
    %dma_wait3A_113 = tpu.memref_squeeze %dma_wait3A_112 : memref<1x32x128xf32, #tpu.memory_space<vmem>> -> memref<32x128xf32, #tpu.memory_space<vmem>>
    tpu.wait_dma2 semaphore(%arg10 : memref<!tpu.dma_semaphore, #tpu.memory_space<semaphore_mem>>) src(%dma_wait3A_113 : memref<32x128xf32, #tpu.memory_space<vmem>>) dst(%dma_wait3A_109 : memref<32x128xf32, #tpu.memory_space<hbm>>)
    return
  }
}

</mosaic_0001>

<sc_bundles>
// kernel: kernel.3.cloned.1.call-start
scs
__scs_entry_jumppad:
0x0: {  	(pc) =	sbr.rel $0x88, $3  }
0x1: {  	(tag) =	ssettag $0x0;
	lr =	simm.s32 $0x1  }
0x2: {  	[smem:$0x3F9F] =	sst lr;
	_ =	strace $0xD0000000  }
0x3: {  	_ = 	snop  }
0x4: {  	_ = 	snop  }
0x5: {  	_ = 	snop  }
0x6: {  	_ = 	snop  }
0x7: {  	_ = 	snop  }
__scs_overlays_trampoline_lowered:
0x8: {  	[smem:$0x3FAE] =	sst s0  }
0x9: {  	[smem:$0x3FAF] =	sst s1  }
0xa: {  	[smem:$0x3FB0] =	sst s2  }
0xb: {  	[smem:$0x3FB1] =	sst s3  }
0xc: {  	[smem:$0x3FB2] =	sst s4  }
0xd: {  	[smem:$0x3FB3] =	sst s5  }
0xe: {  	[smem:$0x3FB4] =	sst s6  }
0xf: {  	[smem:$0x3FB5] =	sst s7  }
0x10: {  	[smem:$0x3FB6] =	sst s8  }
0x11: {  	[smem:$0x3FB7] =	sst s9;
	s0 =	simm.s32 @!p0 $0x0  }
0x12: {  	s1 =	sld [smem:$0x3F9D];
	s0 =	simm.s32 @p0 $0x1  }
0x13: {  	[smem:$0x3FB8] =	sst s0;
	s0 =	simm.s32 @!p1 $0x0  }
0x14: {  	s2 =	sld [smem:$0x3F9C];
	s0 =	simm.s32 @p1 $0x1  }
0x15: {  	[smem:$0x3FB9] =	sst s0;
	s0 =	simm.s32 @!p2 $0x0  }
0x16: {  	s3 =	sld [smem:$0x3FDB];
	s0 =	simm.s32 @p2 $0x1  }
0x17: {  	s4 =	simm.s32 $0x1BF5;
	[smem:$0x3FBB] =	sst s0  }
0x18: {  	s0 =	sld [smem:$0x3F9E];
	_ =	swait.ge [sflag:s4], $0x0  }
0x19: {  	s7 =	sld [smem:$0x3F9F]  }
0x1a: {  	s8 =	sadd.s32 $0xFFFFE003, lr  }
0x1b: {  	s9 =	sadd.s32 $0xFFFFFEF7, lr;
	s5 =	simm.s32 $0xFFFFFFFF;
	p2 =	slt.u32 s8, $0xFFFFF086  }
0x1c: {  	p1 =	slt.u32 s9, $0xF7A;
	s5 =	simm.s32 @!p2 $0x0  }
0x1d: {  	s5 =	simm.s32 @p1 $0x1;
	p0 =	seq.s32 s7, s2  }
0x1e: {  	s7 =	smul.u32 @!p0 $0xF7A, s2;
	p2 =	seq.s32 @!p0 s5, $0x0  }
0x1f: {  	s9 =	smul.u32 $0xF7A, s1;
	s8 =	simm.s32 @!p0 $0x1BF5;
	p2 =	por !p2, p0  }
0x20: {  	[sflag:s8] =	ssyncset.s32 @!p0 $0xFFFFF086;
	s6 =	sadd.s32 @!p0 s3, s7;
	s7 =	simm.s32 @!p0 $0x108  }
0x21: {  	s3 =	sadd.s32 s3, s9;
	s6 =	sadd.s32 @!p0 $0x88, s6;
	s7 =	simm.s32 @p2 $0x1082  }
0x22: {  	[simem:s7], [sflag:s8] =	dma.local @!p0 [hbm:s6], $0xF7A  }
0x23: {  	s9 =	sor.u32 $0xD0000000, s2;
	s6 =	simm.s32 $0x108;
	_ =	swait.ge @!p0 [sflag:s8], $0x0  }
0x24: {  	s3 =	sadd.s32 $0x88, s3;
	s6 =	simm.s32 @!p1 $0x1082;
	[sflag:s4] =	ssyncset.s32 $0xFFFFF086  }
0x25: {  	[simem:s6], [sflag:s4] =	dma.local [hbm:s3], $0xF7A  }
0x26: {  	[smem:$0x3F9F] =	sst s1;
	(tag) =	ssettag s2;
	_ =	strace s9  }
0x27: {  	s1 =	sld [smem:$0x3FAF]  }
0x28: {  	s2 =	sld [smem:$0x3FB0]  }
0x29: {  	s4 =	sld [smem:$0x3FB2]  }
0x2a: {  	p0 =	seq.s32 s5, $0x0;
	s5 =	sld [smem:$0x3FB3]  }
0x2b: {  	s6 =	sld [smem:$0x3FB4]  }
0x2c: {  	s7 =	sld [smem:$0x3FB5]  }
0x2d: {  	s3 =	simm.s32 $0x108;
	s8 =	sld [smem:$0x3FB6]  }
0x2e: {  	s3 =	simm.s32 @!p0 $0x1082;
	s9 =	sld [smem:$0x3FB7]  }
0x2f: {  	lr =	sadd.s32 s0, s3;
	s0 =	sld [smem:$0x3FAE]  }
0x30: {  	s3 =	sld [smem:$0x3FB1]  }
0x31: {  	[smem:$0x3FBA] =	sst s10  }
0x32: {  	s10 =	sld [smem:$0x3FB8];
	_ =	sdelay $0x3  }
0x33: {  	p0 =	seq.s32 s10, $0x1;
	s10 =	sld [smem:$0x3FBA];
	_ =	sdelay $0x3  }
0x34: {  	[smem:$0x3FBA] =	sst s10  }
0x35: {  	s10 =	sld [smem:$0x3FB9];
	_ =	sdelay $0x3  }
0x36: {  	p1 =	seq.s32 s10, $0x1;
	s10 =	sld [smem:$0x3FBA];
	_ =	sdelay $0x3  }
0x37: {  	[smem:$0x3FBA] =	sst s10  }
0x38: {  	s10 =	sld [smem:$0x3FBB]  }
0x39: {  	_ = 	snop;
	(pc) =	sbr.ind lr, $3  }
0x3a: {  	_ = 	snop  }
0x3b: {  	_ = 	snop  }
0x3c: {  	p2 =	seq.s32 s10, $0x1;
	s10 =	sld [smem:$0x3FBA]  }
0x3d: {  	_ =	shalt  }
0x3e: {  	_ =	shalt  }
0x3f: {  	_ =	shalt  }
0x40: {  	_ =	shalt  }
0x41: {  	_ =	shalt  }
0x42: {  	_ =	shalt  }
0x43: {  	_ =	shalt  }
0x44: {  	_ =	shalt  }
0x45: {  	_ =	shalt  }
0x46: {  	_ =	shalt  }
0x47: {  	_ =	shalt  }
0x48: {  	_ =	shalt  }
0x49: {  	_ =	shalt  }
0x4a: {  	_ =	shalt  }
0x4b: {  	_ =	shalt  }
0x4c: {  	_ =	shalt  }
0x4d: {  	_ =	shalt  }
0x4e: {  	_ =	shalt  }
0x4f: {  	_ =	shalt  }
0x50: {  	_ =	shalt  }
0x51: {  	_ =	shalt  }
0x52: {  	_ =	shalt  }
0x53: {  	_ =	shalt  }
0x54: {  	_ =	shalt  }
0x55: {  	_ =	shalt  }
0x56: {  	_ =	shalt  }
0x57: {  	_ =	shalt  }
0x58: {  	_ =	shalt  }
0x59: {  	_ =	shalt  }
0x5a: {  	_ =	shalt  }
0x5b: {  	_ =	shalt  }
0x5c: {  	_ =	shalt  }
0x5d: {  	_ =	shalt  }
0x5e: {  	_ =	shalt  }
0x5f: {  	_ =	shalt  }
0x60: {  	_ =	shalt  }
0x61: {  	_ =	shalt  }
0x62: {  	_ =	shalt  }
0x63: {  	_ =	shalt  }
0x64: {  	_ =	shalt  }
0x65: {  	_ =	shalt  }
0x66: {  	_ =	shalt  }
0x67: {  	_ =	shalt  }
0x68: {  	_ =	shalt  }
0x69: {  	_ =	shalt  }
0x6a: {  	_ =	shalt  }
0x6b: {  	_ =	shalt  }
0x6c: {  	_ =	shalt  }
0x6d: {  	_ =	shalt  }
0x6e: {  	_ =	shalt  }
0x6f: {  	_ =	shalt  }
0x70: {  	_ =	shalt  }
0x71: {  	_ =	shalt  }
0x72: {  	_ =	shalt  }
0x73: {  	_ =	shalt  }
0x74: {  	_ =	shalt  }
0x75: {  	_ =	shalt  }
0x76: {  	_ =	shalt  }
0x77: {  	_ =	shalt  }
0x78: {  	_ =	shalt  }
0x79: {  	_ =	shalt  }
0x7a: {  	_ =	shalt  }
0x7b: {  	_ =	shalt  }
0x7c: {  	_ =	shalt  }
0x7d: {  	_ =	shalt  }
0x7e: {  	_ =	shalt  }
0x7f: {  	_ =	shalt  }
0x80: {  	_ =	shalt  }
0x81: {  	_ =	shalt  }
0x82: {  	_ =	shalt  }
0x83: {  	_ =	shalt  }
0x84: {  	_ =	shalt  }
0x85: {  	_ =	shalt  }
0x86: {  	_ =	shalt  }
0x87: {  	_ =	shalt  }
.Lfunc_end0:
.L_simem_size_0:
called_computation_lowered:
.L_overlay_start_0:
0x88: {  	s2 =	sld [smem:$0x3FD9]  }
0x89: {  	s3 =	sld [smem:$0x3FFE];
	_ =	sdelay $0x1  }
0x8a: {  	s1 =	srdreg.scid  }
0x8b: {  	s0 =	sand.u32 $0x1, s1  }
0x8c: {  	s17 =	sshll.u32 s0, $0xA;
	s2 =	sadd.s32 s3, s2  }
0x8d: {  	s2 =	sadd.s32 s2, s17  }
0x8e: {  	[smem:$0x3FC6] =	sst s2  }
0x8f: {  	_ = 	snop  }
0x90: {  	s2 =	sld [smem:$0x3FC9]  }
0x91: {  	s18 =	sld [smem:$0x3FD0];
	(tm) =	ssettm $0x1  }
0x92: {  	s4 =	sld [smem:$0x3FFB];
	_ =	sdelay $0x3  }
0x93: {  	_ =	strace s4  }
0x94: {  	s4 =	sld [smem:$0x3FFC];
	_ =	sdelay $0x3  }
0x95: {  	_ =	strace s4  }
0x96: {  	s4 =	sld [smem:$0x3FFD];
	_ =	sdelay $0x3  }
0x97: {  	_ =	strace s4  }
0x98: {  	_ =	strace $0x8FFFFFFF  }
0x99: {  	s19 =	sld [smem:$0x3FDB];
	_ =	sdelay $0x1  }
0x9a: {  	s5 =	simm.s32 $_scs_section_size  }
0x9b: {  	s6 =	simm.s32 $_size__tile_overlayer_lowered;
	s7 =	simm.s32 $_tile_overlayer_lowered  }
0x9c: {  	s22 =	simm.s32 $0x1BFF;
	s21 =	sshll.u32 s7, $0x1;
	s4 =	sadd.s32 s5, s19  }
0x9d: {  	s8 =	simm.s32 $0x0;
	s20 =	sshll.u32 s6, $0x1;
	s6 =	sadd.s32 s21, s4  }
0x9e: {  	[timem:s8], [sflag:s22] =	dma.local [hbm:s6], s20  }
0x9f: {  	_ =	swait.ge [sflag:s22], s20  }
0xa0: {  	s5 =	ssub.s32 $0x0, s20;
	[sflag:s22] =	ssyncset.done $0x0  }
0xa1: {  	[sflag:s22] =	ssyncadd.s32 s5;
	_ =	sdelay $0x1  }
0xa2: {  	s23 =	simm.s32 $0x1B8B  }
0xa3: {  	_ =	swait.ge [sflag:s23], $0x1  }
0xa4: {  	[sflag:s23] =	ssyncset.done $0x0  }
0xa5: {  	s25 =	simm.s32 $0x1B8E;
	s24 =	sld [smem:$0x3FFE];
	[sflag:s23] =	ssyncadd.s32 $0xFFFFFFFF  }
0xa6: {  	s26 =	simm.s32 $execute0_lowered;
	[smem:$0x3FD2] =	sst s25  }
0xa7: {  	s6 =	sshll.u32 s26, $0x1;
	_ =	strace $0x80000046;
	[dreg:$0x1] =	wrdreg $0xFFFFFFFF  }
0xa8: {  	s28 =	simm.s32 $_size_execute0_lowered;
	s4 =	sadd.s32 s4, s6;
	[dreg:$0x0] =	wrdreg $0x0  }
0xa9: {  	s6 =	sshll.u32 s28, $0x1;
	[dreg:$0x2] =	wrdreg s4  }
0xaa: {  	[dreg:$0x3] =	wrdreg s6  }
0xab: {  	[dreg:$0x4] =	wrdreg $0xC0  }
0xac: {  	_ =	task [dreg:s8], $0x5FFFF  }
0xad: {  	[dreg:$0x1] =	wrdreg $0xFFFFFFFF  }
0xae: {  	[dreg:$0x0] =	wrdreg $0x60  }
0xaf: {  	[dreg:$0x2] =	wrdreg s2  }
0xb0: {  	[dreg:$0x3] =	wrdreg s24  }
0xb1: {  	[dreg:$0x4] =	wrdreg s18  }
0xb2: {  	[dreg:$0x5] =	wrdreg $0x9  }
0xb3: {  	_ =	task.clear_ibuf [dreg:s8], $0x6FFFF;
	_ =	strace $0x90000046  }
0xb4: {  	s29 =	simm.s32 $0x9;
	_ =	strace $0x80000048  }
0xb5: {  	_ =	swait.ge [sflag:s29], $0x1  }
0xb6: {  	[sflag:s29] =	ssyncadd.s32 $0xFFFFFFFF  }
0xb7: {  	_ =	strace $0x90000048  }
0xb8: {  	_ =	sfence  }
0xb9: {  	s30 =	sld [smem:$0x0];
	_ =	sdelay $0x2  }
0xba: {  	s31 =	sshll.u32 s1, $0xD;
	s1 =	sshrl.u32 s1, $0x2  }
0xbb: {  	s3 =	sand.u32 $0x4000, s31;
	s1 =	sadd.s32 s1, s30  }
0xbc: {  	s0 =	sor.u32 s3, s0;
	s1 =	sshll.u32 s1, $0x11  }
0xbd: {  	s0 =	sor.u32 s1, s0  }
0xbe: {  	s0 =	sadd.s32 $0x8F2B, s0  }
0xbf: {  	[sflag:s0] =	ssyncadd.remote.s32 $0x1  }
0xc0: {  	_ =	sfence.sel $0xFFFF  }
0xc1: {  	[dreg:$0x0] =	wrdreg $0xFFFFFFFF;
	(pc) =	sbr.abs _section_cstart, $3  }
0xc2: {  	[dreg:$0x1] =	wrdreg $0xFFFFFFFF  }
0xc3: {  	_ =	task.clear_ibuf [dreg:s8], $0x2FFFF;
	_ =	strace $0x9FFFFFFF  }
0xc4: {  	(tm) =	ssettm $0x7FFFFFFF  }
0xc5: {  	_ =	shalt  }
tec
execute0_lowered:
.L_overlay_start_1:
0x0: {  	(tag) =	ssettag $0x1  }
0x1: {  	s4 =	rddreg [dreg:$0x0]  }
0x2: {  	s3 =	rddreg [dreg:$0x1]  }
0x3: {  	s5 =	rddreg [dreg:$0x2];
	s2 =	simm.s32 $0x0;
	s6 =	srdreg.scid  }
0x4: {  	s0 =	stileid.u32;
	s10 =	simm.s32 $0x80;
	s11 =	simm.s32 $0x4000  }
0x5: {  	s12 =	simm.s32 $0x4400;
	s13 =	simm.s32 $0x1;
	s14 =	simm.s32 $0x400  }
0x6: {  	v0 =	vlaneseq.u32;
	s15 =	simm.s32 $0x2;
	s16 =	simm.s32 $0x0;
	[smem:$0x7FF] =	sst s2  }
0x7: {  	s6 =	sand.u32 $0x1, s6;
	s8 =	sshll.u32 s0, $0xA;
	s3 =	sadd.s32 $0xF42800, s3;
	v0 =	vmul.u32 $0x80, v0  }
0x8: {  	s7 =	ssub.s32 $0x2, s6;
	s6 =	sshll.u32 s6, $0x9;
	_ =	strace $0x80000047  }
0x9: {  	s9 =	sshrl.u32 s7, $0x1;
	s6 =	sor.u32 s6, s8;
	s8 =	simm.s32 $0x20000;
	v1 =	vor.u32 $0x800, v0  }
0xa: {  	v2 =	vor.u32 $0x1000, v0;
	v3 =	vor.u32 $0x1800, v0;
	v4 =	vor.u32 $0x2000, v0;
	s7 =	ssub.s32 s7, s9;
	s4 =	sadd.s32 s4, s6;
	s5 =	sadd.s32 s5, s6  }
0xb: {  	v5 =	vor.u32 $0x2800, v0;
	v6 =	vor.u32 $0x3000, v0;
	v7 =	vor.u32 $0x3800, v0;
	s9 =	simm.s32 $0x3;
	s6 =	smax.u32 s7, $0x1;
	s7 =	simm.s32 $0x1000  }
.LBB2_1:
0xc: {  	[tilespmem:s2], [sflag:$0x3] =	stream.strided.gather [hbm4b:s4+s7], $0x4000, s8, s7, $0x38;
	[tilespmem:$0xE400] =	vst v63  }
0xd: {  	_ =	swait.ge [sflag:s9], $0x4000  }
0xe: {  	[sflag:s9] =	ssyncset.done $0x0  }
0xf: {  	[sflag:s9] =	ssyncadd.s32 $0xFFFFC000  }
0x10: {  	v8 =	vld [tilespmem:$0x0]  }
0x11: {  	v9 =	vld [tilespmem:$0x10]  }
0x12: {  	v10 =	vld [tilespmem:$0x20]  }
0x13: {  	v11 =	vld [tilespmem:$0x30]  }
0x14: {  	v12 =	vld [tilespmem:$0x40]  }
0x15: {  	v13 =	vld [tilespmem:$0x50];
	v8 =	vshrl.u32 v8, $0x2  }
0x16: {  	v62 =	vld [tilespmem:$0x60];
	[tilespmem:$0x4000] =	vst v8;
	v8 =	vshrl.u32 v9, $0x2  }
0x17: {  	v63 =	vld [tilespmem:$0x70];
	[tilespmem:$0x4010] =	vst v8;
	v8 =	vshrl.u32 v10, $0x2  }
0x18: {  	[tilespmem:$0x4020] =	vst v8;
	v8 =	vshrl.u32 v11, $0x2  }
0x19: {  	[tilespmem:$0x4030] =	vst v8;
	v8 =	vshrl.u32 v12, $0x2  }
0x1a: {  	[tilespmem:$0x4040] =	vst v8;
	v8 =	vshrl.u32 v13, $0x2  }
0x1b: {  	[tilespmem:$0x4050] =	vst v8;
	v8 =	vshrl.u32 v62, $0x2  }
0x1c: {  	[tilespmem:$0x4060] =	vst v8;
	v8 =	vshrl.u32 v63, $0x2  }
0x1d: {  	s20 =	simm.s32 $0x0;
	[tilespmem:$0x4070] =	vst v8  }
0x1e: {  	[tilespmem:s12], [sflag:$0x1] =	stream.indirect.gather [hbm4b:s3+s10], $0x80, s11, s10, $0xb8;
	[tilespmem:$0xE400] =	vst v63  }
.LBB2_2:
0x1f: {  	p0 =	seq.s32 s20, $0x0  }
0x20: {  	p1 =	seq.s32 @!p0 s20, $0x67  }
0x21: {  	_ =	swait.ge [sflag:s13], $0x4000;
	p1 =	por p0, !p1  }
.Ltmp0:
0x22: {  	[sflag:s13] =	ssyncset.done $0x0;
	(pc) =	sbr.rel @!p1 .LBB2_4-.Ltmp0, $4  }
0x23: {  	s17 =	simm.s32 @!p0 $0x2;
	[sflag:s13] =	ssyncadd.s32 $0xFFFFC000  }
0x24: {  	_ =	swait.ge @!p0 [sflag:s17], $0x1000  }
0x25: {  	[sflag:s17] =	ssyncset.done @!p0 $0x0  }
0x26: {  	[sflag:s17] =	ssyncadd.s32 @!p0 $0xFFFFF000;
	s17 =	simm.s32 @!p0 $0x68  }
0x27: {  	s17 =	sadd.s32 @!p0 $0x1, s20  }
0x28: {  	s17 =	simm.s32 @p0 $0x1  }
0x29: {  	s18 =	sshll.u32 s17, $0x7;
	s19 =	sshll.u32 s17, $0xA  }
0x2a: {  	s22 =	sshll.u32 s17, $0x5;
	s21 =	sand.u32 $0x7000, s18;
	s19 =	sand.u32 $0xC00, s19  }
0x2b: {  	s22 =	sand.u32 $0x380, s22;
	s19 =	sor.u32 s19, s21  }
0x2c: {  	s19 =	sor.u32 s22, s19  }
0x2d: {  	v8 =	vld [tilespmem:s19+$0x0];
	_ =	sdelay $0x4  }
0x2e: {  	s18 =	sand.u32 $0x380, s18;
	v8 =	vshrl.u32 v8, $0x2  }
0x2f: {  	[tilespmem:s18+$0x4000] =	vst v8  }
0x30: {  	v8 =	vld [tilespmem:s19+$0x10];
	_ =	sdelay $0x4  }
0x31: {  	v8 =	vshrl.u32 v8, $0x2  }
0x32: {  	[tilespmem:s18+$0x4010] =	vst v8  }
0x33: {  	v8 =	vld [tilespmem:s19+$0x20];
	_ =	sdelay $0x4  }
0x34: {  	v8 =	vshrl.u32 v8, $0x2  }
0x35: {  	[tilespmem:s18+$0x4020] =	vst v8  }
0x36: {  	v8 =	vld [tilespmem:s19+$0x30];
	_ =	sdelay $0x4  }
0x37: {  	v8 =	vshrl.u32 v8, $0x2  }
0x38: {  	[tilespmem:s18+$0x4030] =	vst v8  }
0x39: {  	v8 =	vld [tilespmem:s19+$0x40];
	_ =	sdelay $0x4  }
0x3a: {  	v8 =	vshrl.u32 v8, $0x2  }
0x3b: {  	[tilespmem:s18+$0x4040] =	vst v8  }
0x3c: {  	v8 =	vld [tilespmem:s19+$0x50];
	_ =	sdelay $0x4  }
0x3d: {  	v8 =	vshrl.u32 v8, $0x2  }
0x3e: {  	[tilespmem:s18+$0x4050] =	vst v8  }
0x3f: {  	v8 =	vld [tilespmem:s19+$0x60];
	_ =	sdelay $0x4  }
0x40: {  	v8 =	vshrl.u32 v8, $0x2  }
0x41: {  	[tilespmem:s18+$0x4060] =	vst v8  }
0x42: {  	v8 =	vld [tilespmem:s19+$0x70];
	_ =	sdelay $0x3  }
0x43: {  	s29 =	sshll.u32 s17, $0xE  }
0x44: {  	s19 =	sand.u32 $0x4000, s29;
	v8 =	vshrl.u32 v8, $0x2  }
0x45: {  	s30 =	sor.u32 $0x4000, s18;
	s31 =	sadd.s32 $0x4400, s19;
	[tilespmem:s18+$0x4070] =	vst v8  }
0x46: {  	[tilespmem:s31], [sflag:$0x1] =	stream.indirect.gather [hbm4b:s3+s10], $0x80, s30, s10, $0xb8;
	[tilespmem:$0xE400] =	vst v63  }
.LBB2_4:
0x47: {  	s21 =	sshll.u32 s20, $0x7  }
0x48: {  	s19 =	sshrl.u32 s20, $0x2;
	s18 =	sand.u32 $0x180, s21  }
0x49: {  	s21 =	sand.u32 $0x3000, s21;
	s22 =	sshll.u32 s19, $0x7;
	s23 =	sshll.u32 s18, $0x3  }
0x4a: {  	s22 =	sand.u32 $0x380, s22;
	s21 =	sor.u32 s23, s21  }
0x4b: {  	s23 =	sor.u32 s22, s21  }
0x4c: {  	v8 =	vld [tilespmem:s23+$0x0];
	_ =	sdelay $0x4  }
0x4d: {  	v8 =	vshll.u32 v8, $0x5  }
0x4e: {  	v8 =	vand.u32 $0x60, v8  }
0x4f: {  	s25 =	simm.s32 $0x0;
	v8 =	vor.u32 v0, v8  }
0x50: {  	s26 =	simm.s32 $0x6;
	v9 =	vor.u32 s25, v8  }
0x51: {  	s28 =	simm.s32 $0x7;
	v10 =	vor.u32 s26, v8  }
0x52: {  	s29 =	sand.u32 $0x1, s20;
	s30 =	simm.s32 $0x5;
	v11 =	vor.u32 s28, v8  }
0x53: {  	s24 =	simm.s32 $0x3;
	s31 =	sshll.u32 s29, $0xE;
	v12 =	vor.u32 s30, v8  }
0x54: {  	s0 =	simm.s32 $0x4;
	s20 =	sadd.s32 $0x4400, s31;
	v13 =	vor.u32 s24, v8  }
0x55: {  	v14 =	vor.u32 s0, v8;
	s25 =	simm.s32 $0x1;
	v18 =	vld.idx.msk [tilespmem:v9+s20+$0x0], $0xffff  }
0x56: {  	s1 =	simm.s32 $0x2;
	v16 =	vor.u32 s25, v8;
	v10 =	vld.idx.msk [tilespmem:v10+s20+$0x0], $0xffff  }
0x57: {  	s26 =	simm.s32 $0x8;
	v9 =	vor.u32 s1, v8;
	v19 =	vld.idx.msk [tilespmem:v11+s20+$0x0], $0xffff  }
0x58: {  	s28 =	simm.s32 $0xE;
	v20 =	vld.idx.msk [tilespmem:v12+s20+$0x0], $0xffff;
	v12 =	vor.u32 s26, v8  }
0x59: {  	v23 =	vor.u32 s28, v8;
	v22 =	vld.idx.msk [tilespmem:v13+s20+$0x0], $0xffff  }
0x5a: {  	s29 =	simm.s32 $0xF;
	v13 =	vld.idx.msk [tilespmem:v14+s20+$0x0], $0xffff  }
0x5b: {  	s22 =	sshrl.u32 s31, $0x2;
	v17 =	vor.u32 s29, v8;
	s30 =	simm.s32 $0xD;
	s25 =	simm.s32 $0xB;
	v16 =	vld.idx.msk [tilespmem:v16+s20+$0x0], $0xffff;
	v24 =	vmul.f32 $5.656854150e+00, v10  }
0x5c: {  	s24 =	sor.u32 $0xC600, s22;
	s28 =	simm.s32 $0x9;
	v15 =	vor.u32 s25, v8;
	s26 =	simm.s32 $0xC;
	v14 =	vld.idx.msk [tilespmem:v9+s20+$0x0], $0xffff;
	v25 =	vmul.f32 $5.656854150e+00, v19;
	v19 =	vor.u32 s30, v8  }
0x5d: {  	s31 =	simm.s32 $0xA;
	v11 =	vor.u32 s26, v8;
	v9 =	vor.u32 s28, v8;
	v21 =	vmul.f32 $5.656854150e+00, v18;
	v10 =	vld.idx.msk [tilespmem:v12+s20+$0x0], $0xffff;
	[tilespmem:s24+$0x100] =	vst v24  }
0x5e: {  	s21 =	sor.u32 $0xC400, s22;
	s25 =	smov.u32 s24;
	s26 =	simm.s32 $0x10;
	v12 =	vor.u32 s31, v8;
	v20 =	vmul.f32 $5.656854150e+00, v20;
	v18 =	vld.idx.msk [tilespmem:v23+s20+$0x0], $0xffff;
	v22 =	vmul.f32 $5.656854150e+00, v22;
	[tilespmem:s24+$0x180] =	vst v25  }
.LBB2_5:
0x5f: {  	p0 =	slt.u32 s26, $0x18  }
0x60: {  	v23 =	vld.idx.msk [tilespmem:v17+s20+$0x0], $0xffff;
	[tilespmem:s24+$0xFFFFFE00] =	vst v21;
	s25 =	sadd.s32 $0x400, s25;
	s28 =	smov.u32 s26;
	s26 =	sadd.s32 $0x8, s26  }
0x61: {  	v24 =	vld.idx.msk [tilespmem:v19+s20+$0x0], $0xffff;
	[tilespmem:s24+$0xFFFFFF80] =	vst v22;
	v19 =	vmul.f32 $5.656854150e+00, v13  }
0x62: {  	v22 =	vor.u32 s28, v8;
	s29 =	sadd.s32 $0x6, s28;
	s30 =	sadd.s32 $0x7, s28;
	v14 =	vmul.f32 $5.656854150e+00, v14;
	v25 =	vld.idx.msk [tilespmem:v15+s20+$0x0], $0xffff;
	[tilespmem:s24+$0x80] =	vst v20  }
0x63: {  	s31 =	sadd.s32 $0x3, s28;
	s0 =	sadd.s32 $0x4, s28;
	s1 =	sadd.s32 $0x5, s28;
	v26 =	vor.u32 s29, v8;
	v17 =	vor.u32 s30, v8;
	v16 =	vmul.f32 $5.656854150e+00, v16;
	v13 =	vld.idx.msk [tilespmem:v11+s20+$0x0], $0xffff;
	[tilespmem:s24+$0x0] =	vst v19  }
.Ltmp1:
0x64: {  	s29 =	sadd.s32 $0x1, s28;
	s28 =	sadd.s32 $0x2, s28;
	v15 =	vor.u32 s31, v8;
	v11 =	vor.u32 s0, v8;
	v19 =	vor.u32 s1, v8;
	[tilespmem:s24+$0xFFFFFF00] =	vst v14;
	(pc) =	sbr.rel @p0 .LBB2_5-.Ltmp1, $4  }
0x65: {  	v20 =	vor.u32 s29, v8;
	v18 =	vmul.f32 $5.656854150e+00, v18;
	v14 =	vld.idx.msk [tilespmem:v12+s20+$0x0], $0xffff;
	v12 =	vor.u32 s28, v8;
	[tilespmem:s24+$0xFFFFFE80] =	vst v16;
	s24 =	smov.u32 s25  }
0x66: {  	v21 =	vmul.f32 $5.656854150e+00, v10;
	v23 =	vmul.f32 $5.656854150e+00, v23;
	v16 =	vld.idx.msk [tilespmem:v9+s20+$0x0], $0xffff;
	v9 =	vmov v20  }
0x67: {  	v20 =	vmul.f32 $5.656854150e+00, v24;
	v10 =	vld.idx.msk [tilespmem:v22+s20+$0x0], $0xffff;
	[tilespmem:s25+$0x100] =	vst v18  }
0x68: {  	v22 =	vmul.f32 $5.656854150e+00, v25;
	v18 =	vld.idx.msk [tilespmem:v26+s20+$0x0], $0xffff;
	[tilespmem:s25+$0x180] =	vst v23  }
0x69: {  	_ =	sdelay $0x2  }
0x6a: {  	[tilespmem:s24+$0xFFFFFE00] =	vst v21  }
0x6b: {  	v8 =	vld.idx.msk [tilespmem:v17+s20+$0x0], $0xffff;
	v13 =	vmul.f32 $5.656854150e+00, v13;
	[tilespmem:s24+$0x80] =	vst v20  }
0x6c: {  	v11 =	vld.idx.msk [tilespmem:v11+s20+$0x0], $0xffff;
	[tilespmem:s24+$0xFFFFFF80] =	vst v22;
	v14 =	vmul.f32 $5.656854150e+00, v14  }
0x6d: {  	v12 =	vld.idx.msk [tilespmem:v12+s20+$0x0], $0xffff;
	v16 =	vmul.f32 $5.656854150e+00, v16;
	[tilespmem:s24+$0x0] =	vst v13  }
0x6e: {  	v17 =	vld.idx.msk [tilespmem:v19+s20+$0x0], $0xffff;
	[tilespmem:s24+$0xFFFFFF00] =	vst v14;
	v10 =	vmul.f32 $5.656854150e+00, v10  }
0x6f: {  	v15 =	vld.idx.msk [tilespmem:v15+s20+$0x0], $0xffff;
	s0 =	sadd.s32 $0x400, s25;
	v13 =	vmul.f32 $5.656854150e+00, v18;
	[tilespmem:s24+$0xFFFFFE80] =	vst v16  }
0x70: {  	v9 =	vld.idx.msk [tilespmem:v9+s20+$0x0], $0xffff;
	v8 =	vmul.f32 $5.656854150e+00, v8;
	[tilespmem:s0+$0xFFFFFE00] =	vst v10  }
0x71: {  	v10 =	vmul.f32 $5.656854150e+00, v11;
	[tilespmem:s0+$0x100] =	vst v13  }
0x72: {  	v11 =	vmul.f32 $5.656854150e+00, v12;
	[tilespmem:s0+$0x180] =	vst v8  }
0x73: {  	v8 =	vmul.f32 $5.656854150e+00, v17;
	[tilespmem:s0+$0x0] =	vst v10  }
0x74: {  	v13 =	vmul.f32 $5.656854150e+00, v15;
	[tilespmem:s0+$0xFFFFFF00] =	vst v11  }
0x75: {  	[tilespmem:s0+$0x80] =	vst v8;
	v8 =	vmul.f32 $5.656854150e+00, v9  }
0x76: {  	[tilespmem:s0+$0xFFFFFF80] =	vst v13  }
0x77: {  	[tilespmem:s0+$0xFFFFFE80] =	vst v8  }
0x78: {  	v8 =	vld [tilespmem:s23+$0x10];
	_ =	sdelay $0x4  }
0x79: {  	v8 =	vshll.u32 v8, $0x5  }
0x7a: {  	v8 =	vand.u32 $0x60, v8  }
0x7b: {  	s24 =	simm.s32 $0x0;
	v8 =	vor.u32 v1, v8  }
0x7c: {  	s25 =	simm.s32 $0x6;
	v9 =	vor.u32 s24, v8  }
0x7d: {  	s1 =	simm.s32 $0x7;
	v10 =	vor.u32 s25, v8  }
0x7e: {  	s26 =	simm.s32 $0x5;
	v11 =	vor.u32 s1, v8  }
0x7f: {  	s28 =	simm.s32 $0x3;
	v12 =	vor.u32 s26, v8  }
0x80: {  	s29 =	simm.s32 $0x4;
	v13 =	vor.u32 s28, v8  }
0x81: {  	s31 =	simm.s32 $0x1;
	v14 =	vor.u32 s29, v8;
	v17 =	vld.idx.msk [tilespmem:v9+s20+$0x0], $0xffff  }
0x82: {  	s30 =	simm.s32 $0x2;
	v16 =	vor.u32 s31, v8;
	v10 =	vld.idx.msk [tilespmem:v10+s20+$0x0], $0xffff  }
0x83: {  	s24 =	simm.s32 $0x8;
	v9 =	vor.u32 s30, v8;
	v19 =	vld.idx.msk [tilespmem:v11+s20+$0x0], $0xffff  }
0x84: {  	s25 =	simm.s32 $0xE;
	v20 =	vld.idx.msk [tilespmem:v12+s20+$0x0], $0xffff;
	v12 =	vor.u32 s24, v8  }
0x85: {  	v23 =	vor.u32 s25, v8;
	v22 =	vld.idx.msk [tilespmem:v13+s20+$0x0], $0xffff  }
0x86: {  	s26 =	simm.s32 $0xF;
	v13 =	vld.idx.msk [tilespmem:v14+s20+$0x0], $0xffff  }
0x87: {  	s28 =	simm.s32 $0xB;
	v18 =	vor.u32 s26, v8;
	s30 =	simm.s32 $0xD;
	v16 =	vld.idx.msk [tilespmem:v16+s20+$0x0], $0xffff;
	v24 =	vmul.f32 $5.656854150e+00, v10  }
0x88: {  	s29 =	simm.s32 $0xC;
	s26 =	simm.s32 $0x9;
	v15 =	vor.u32 s28, v8;
	s24 =	sadd.s32 $0xC610, s22;
	v14 =	vld.idx.msk [tilespmem:v9+s20+$0x0], $0xffff;
	v25 =	vmul.f32 $5.656854150e+00, v19;
	v19 =	vor.u32 s30, v8  }
0x89: {  	s31 =	simm.s32 $0xA;
	v11 =	vor.u32 s29, v8;
	v9 =	vor.u32 s26, v8;
	v21 =	vmul.f32 $5.656854150e+00, v17;
	v10 =	vld.idx.msk [tilespmem:v12+s20+$0x0], $0xffff;
	[tilespmem:s24+$0x100] =	vst v24  }
0x8a: {  	s25 =	smov.u32 s24;
	s26 =	simm.s32 $0x10;
	v12 =	vor.u32 s31, v8;
	v20 =	vmul.f32 $5.656854150e+00, v20;
	v17 =	vld.idx.msk [tilespmem:v23+s20+$0x0], $0xffff;
	v22 =	vmul.f32 $5.656854150e+00, v22;
	[tilespmem:s24+$0x180] =	vst v25  }
.LBB2_7:
0x8b: {  	p0 =	slt.u32 s26, $0x18  }
0x8c: {  	v23 =	vld.idx.msk [tilespmem:v18+s20+$0x0], $0xffff;
	[tilespmem:s24+$0xFFFFFE00] =	vst v21;
	s25 =	sadd.s32 $0x400, s25;
	s0 =	smov.u32 s26;
	s26 =	sadd.s32 $0x8, s26  }
0x8d: {  	v24 =	vld.idx.msk [tilespmem:v19+s20+$0x0], $0xffff;
	[tilespmem:s24+$0xFFFFFF80] =	vst v22;
	v19 =	vmul.f32 $5.656854150e+00, v13  }
0x8e: {  	v22 =	vor.u32 s0, v8;
	s1 =	sadd.s32 $0x6, s0;
	s28 =	sadd.s32 $0x7, s0;
	v14 =	vmul.f32 $5.656854150e+00, v14;
	v25 =	vld.idx.msk [tilespmem:v15+s20+$0x0], $0xffff;
	[tilespmem:s24+$0x80] =	vst v20  }
0x8f: {  	s29 =	sadd.s32 $0x3, s0;
	s30 =	sadd.s32 $0x4, s0;
	s31 =	sadd.s32 $0x5, s0;
	v26 =	vor.u32 s1, v8;
	v18 =	vor.u32 s28, v8;
	v16 =	vmul.f32 $5.656854150e+00, v16;
	v13 =	vld.idx.msk [tilespmem:v11+s20+$0x0], $0xffff;
	[tilespmem:s24+$0x0] =	vst v19  }
.Ltmp2:
0x90: {  	s1 =	sadd.s32 $0x1, s0;
	s0 =	sadd.s32 $0x2, s0;
	v15 =	vor.u32 s29, v8;
	v11 =	vor.u32 s30, v8;
	v19 =	vor.u32 s31, v8;
	[tilespmem:s24+$0xFFFFFF00] =	vst v14;
	(pc) =	sbr.rel @p0 .LBB2_7-.Ltmp2, $4  }
0x91: {  	v20 =	vor.u32 s1, v8;
	v17 =	vmul.f32 $5.656854150e+00, v17;
	v14 =	vld.idx.msk [tilespmem:v12+s20+$0x0], $0xffff;
	v12 =	vor.u32 s0, v8;
	[tilespmem:s24+$0xFFFFFE80] =	vst v16;
	s24 =	smov.u32 s25  }
0x92: {  	v21 =	vmul.f32 $5.656854150e+00, v10;
	v23 =	vmul.f32 $5.656854150e+00, v23;
	v16 =	vld.idx.msk [tilespmem:v9+s20+$0x0], $0xffff;
	v9 =	vmov v20  }
0x93: {  	v20 =	vmul.f32 $5.656854150e+00, v24;
	v10 =	vld.idx.msk [tilespmem:v22+s20+$0x0], $0xffff;
	[tilespmem:s25+$0x100] =	vst v17  }
0x94: {  	v22 =	vmul.f32 $5.656854150e+00, v25;
	v17 =	vld.idx.msk [tilespmem:v26+s20+$0x0], $0xffff;
	[tilespmem:s25+$0x180] =	vst v23  }
0x95: {  	_ =	sdelay $0x2  }
0x96: {  	[tilespmem:s24+$0xFFFFFE00] =	vst v21  }
0x97: {  	v8 =	vld.idx.msk [tilespmem:v18+s20+$0x0], $0xffff;
	v13 =	vmul.f32 $5.656854150e+00, v13;
	[tilespmem:s24+$0x80] =	vst v20  }
0x98: {  	v11 =	vld.idx.msk [tilespmem:v11+s20+$0x0], $0xffff;
	[tilespmem:s24+$0xFFFFFF80] =	vst v22;
	v14 =	vmul.f32 $5.656854150e+00, v14  }
0x99: {  	v12 =	vld.idx.msk [tilespmem:v12+s20+$0x0], $0xffff;
	v16 =	vmul.f32 $5.656854150e+00, v16;
	[tilespmem:s24+$0x0] =	vst v13  }
0x9a: {  	v18 =	vld.idx.msk [tilespmem:v19+s20+$0x0], $0xffff;
	[tilespmem:s24+$0xFFFFFF00] =	vst v14;
	v10 =	vmul.f32 $5.656854150e+00, v10  }
0x9b: {  	v15 =	vld.idx.msk [tilespmem:v15+s20+$0x0], $0xffff;
	s0 =	sadd.s32 $0x400, s25;
	v13 =	vmul.f32 $5.656854150e+00, v17;
	[tilespmem:s24+$0xFFFFFE80] =	vst v16  }
0x9c: {  	v9 =	vld.idx.msk [tilespmem:v9+s20+$0x0], $0xffff;
	v8 =	vmul.f32 $5.656854150e+00, v8;
	[tilespmem:s0+$0xFFFFFE00] =	vst v10  }
0x9d: {  	v10 =	vmul.f32 $5.656854150e+00, v11;
	[tilespmem:s0+$0x100] =	vst v13  }
0x9e: {  	v11 =	vmul.f32 $5.656854150e+00, v12;
	[tilespmem:s0+$0x180] =	vst v8  }
0x9f: {  	v8 =	vmul.f32 $5.656854150e+00, v18;
	[tilespmem:s0+$0x0] =	vst v10  }
0xa0: {  	v13 =	vmul.f32 $5.656854150e+00, v15;
	[tilespmem:s0+$0xFFFFFF00] =	vst v11  }
0xa1: {  	[tilespmem:s0+$0x80] =	vst v8;
	v8 =	vmul.f32 $5.656854150e+00, v9  }
0xa2: {  	[tilespmem:s0+$0xFFFFFF80] =	vst v13  }
0xa3: {  	[tilespmem:s0+$0xFFFFFE80] =	vst v8  }
0xa4: {  	v8 =	vld [tilespmem:s23+$0x20];
	_ =	sdelay $0x4  }
0xa5: {  	v8 =	vshll.u32 v8, $0x5  }
0xa6: {  	v8 =	vand.u32 $0x60, v8  }
0xa7: {  	s24 =	simm.s32 $0x0;
	v8 =	vor.u32 v2, v8  }
0xa8: {  	s25 =	simm.s32 $0x6;
	v9 =	vor.u32 s24, v8  }
0xa9: {  	s1 =	simm.s32 $0x7;
	v10 =	vor.u32 s25, v8  }
0xaa: {  	s26 =	simm.s32 $0x5;
	v11 =	vor.u32 s1, v8  }
0xab: {  	s28 =	simm.s32 $0x3;
	v12 =	vor.u32 s26, v8  }
0xac: {  	s29 =	simm.s32 $0x4;
	v13 =	vor.u32 s28, v8  }
0xad: {  	s31 =	simm.s32 $0x1;
	v14 =	vor.u32 s29, v8;
	v17 =	vld.idx.msk [tilespmem:v9+s20+$0x0], $0xffff  }
0xae: {  	s30 =	simm.s32 $0x2;
	v16 =	vor.u32 s31, v8;
	v10 =	vld.idx.msk [tilespmem:v10+s20+$0x0], $0xffff  }
0xaf: {  	s24 =	simm.s32 $0x8;
	v9 =	vor.u32 s30, v8;
	v19 =	vld.idx.msk [tilespmem:v11+s20+$0x0], $0xffff  }
0xb0: {  	s25 =	simm.s32 $0xE;
	v20 =	vld.idx.msk [tilespmem:v12+s20+$0x0], $0xffff;
	v12 =	vor.u32 s24, v8  }
0xb1: {  	v23 =	vor.u32 s25, v8;
	v22 =	vld.idx.msk [tilespmem:v13+s20+$0x0], $0xffff  }
0xb2: {  	s26 =	simm.s32 $0xF;
	v13 =	vld.idx.msk [tilespmem:v14+s20+$0x0], $0xffff  }
0xb3: {  	s28 =	simm.s32 $0xB;
	v18 =	vor.u32 s26, v8;
	s30 =	simm.s32 $0xD;
	v16 =	vld.idx.msk [tilespmem:v16+s20+$0x0], $0xffff;
	v24 =	vmul.f32 $5.656854150e+00, v10  }
0xb4: {  	s29 =	simm.s32 $0xC;
	s26 =	simm.s32 $0x9;
	v15 =	vor.u32 s28, v8;
	s24 =	sadd.s32 $0xC620, s22;
	v14 =	vld.idx.msk [tilespmem:v9+s20+$0x0], $0xffff;
	v25 =	vmul.f32 $5.656854150e+00, v19;
	v19 =	vor.u32 s30, v8  }
0xb5: {  	s31 =	simm.s32 $0xA;
	v11 =	vor.u32 s29, v8;
	v9 =	vor.u32 s26, v8;
	v21 =	vmul.f32 $5.656854150e+00, v17;
	v10 =	vld.idx.msk [tilespmem:v12+s20+$0x0], $0xffff;
	[tilespmem:s24+$0x100] =	vst v24  }
0xb6: {  	s25 =	smov.u32 s24;
	s26 =	simm.s32 $0x10;
	v12 =	vor.u32 s31, v8;
	v20 =	vmul.f32 $5.656854150e+00, v20;
	v17 =	vld.idx.msk [tilespmem:v23+s20+$0x0], $0xffff;
	v22 =	vmul.f32 $5.656854150e+00, v22;
	[tilespmem:s24+$0x180] =	vst v25  }
.LBB2_9:
0xb7: {  	p0 =	slt.u32 s26, $0x18  }
0xb8: {  	v23 =	vld.idx.msk [tilespmem:v18+s20+$0x0], $0xffff;
	[tilespmem:s24+$0xFFFFFE00] =	vst v21;
	s25 =	sadd.s32 $0x400, s25;
	s0 =	smov.u32 s26;
	s26 =	sadd.s32 $0x8, s26  }
0xb9: {  	v24 =	vld.idx.msk [tilespmem:v19+s20+$0x0], $0xffff;
	[tilespmem:s24+$0xFFFFFF80] =	vst v22;
	v19 =	vmul.f32 $5.656854150e+00, v13  }
0xba: {  	v22 =	vor.u32 s0, v8;
	s1 =	sadd.s32 $0x6, s0;
	s28 =	sadd.s32 $0x7, s0;
	v14 =	vmul.f32 $5.656854150e+00, v14;
	v25 =	vld.idx.msk [tilespmem:v15+s20+$0x0], $0xffff;
	[tilespmem:s24+$0x80] =	vst v20  }
0xbb: {  	s29 =	sadd.s32 $0x3, s0;
	s30 =	sadd.s32 $0x4, s0;
	s31 =	sadd.s32 $0x5, s0;
	v26 =	vor.u32 s1, v8;
	v18 =	vor.u32 s28, v8;
	v16 =	vmul.f32 $5.656854150e+00, v16;
	v13 =	vld.idx.msk [tilespmem:v11+s20+$0x0], $0xffff;
	[tilespmem:s24+$0x0] =	vst v19  }
.Ltmp3:
0xbc: {  	s1 =	sadd.s32 $0x1, s0;
	s0 =	sadd.s32 $0x2, s0;
	v15 =	vor.u32 s29, v8;
	v11 =	vor.u32 s30, v8;
	v19 =	vor.u32 s31, v8;
	[tilespmem:s24+$0xFFFFFF00] =	vst v14;
	(pc) =	sbr.rel @p0 .LBB2_9-.Ltmp3, $4  }
0xbd: {  	v20 =	vor.u32 s1, v8;
	v17 =	vmul.f32 $5.656854150e+00, v17;
	v14 =	vld.idx.msk [tilespmem:v12+s20+$0x0], $0xffff;
	v12 =	vor.u32 s0, v8;
	[tilespmem:s24+$0xFFFFFE80] =	vst v16;
	s24 =	smov.u32 s25  }
0xbe: {  	v21 =	vmul.f32 $5.656854150e+00, v10;
	v23 =	vmul.f32 $5.656854150e+00, v23;
	v16 =	vld.idx.msk [tilespmem:v9+s20+$0x0], $0xffff;
	v9 =	vmov v20  }
0xbf: {  	v20 =	vmul.f32 $5.656854150e+00, v24;
	v10 =	vld.idx.msk [tilespmem:v22+s20+$0x0], $0xffff;
	[tilespmem:s25+$0x100] =	vst v17  }
0xc0: {  	v22 =	vmul.f32 $5.656854150e+00, v25;
	v17 =	vld.idx.msk [tilespmem:v26+s20+$0x0], $0xffff;
	[tilespmem:s25+$0x180] =	vst v23  }
0xc1: {  	_ =	sdelay $0x2  }
0xc2: {  	[tilespmem:s24+$0xFFFFFE00] =	vst v21  }
0xc3: {  	v8 =	vld.idx.msk [tilespmem:v18+s20+$0x0], $0xffff;
	v13 =	vmul.f32 $5.656854150e+00, v13;
	[tilespmem:s24+$0x80] =	vst v20  }
0xc4: {  	v11 =	vld.idx.msk [tilespmem:v11+s20+$0x0], $0xffff;
	[tilespmem:s24+$0xFFFFFF80] =	vst v22;
	v14 =	vmul.f32 $5.656854150e+00, v14  }
0xc5: {  	v12 =	vld.idx.msk [tilespmem:v12+s20+$0x0], $0xffff;
	v16 =	vmul.f32 $5.656854150e+00, v16;
	[tilespmem:s24+$0x0] =	vst v13  }
0xc6: {  	v18 =	vld.idx.msk [tilespmem:v19+s20+$0x0], $0xffff;
	[tilespmem:s24+$0xFFFFFF00] =	vst v14;
	v10 =	vmul.f32 $5.656854150e+00, v10  }
0xc7: {  	v15 =	vld.idx.msk [tilespmem:v15+s20+$0x0], $0xffff;
	s0 =	sadd.s32 $0x400, s25;
	v13 =	vmul.f32 $5.656854150e+00, v17;
	[tilespmem:s24+$0xFFFFFE80] =	vst v16  }
0xc8: {  	v9 =	vld.idx.msk [tilespmem:v9+s20+$0x0], $0xffff;
	v8 =	vmul.f32 $5.656854150e+00, v8;
	[tilespmem:s0+$0xFFFFFE00] =	vst v10  }
0xc9: {  	v10 =	vmul.f32 $5.656854150e+00, v11;
	[tilespmem:s0+$0x100] =	vst v13  }
0xca: {  	v11 =	vmul.f32 $5.656854150e+00, v12;
	[tilespmem:s0+$0x180] =	vst v8  }
0xcb: {  	v8 =	vmul.f32 $5.656854150e+00, v18;
	[tilespmem:s0+$0x0] =	vst v10  }
0xcc: {  	v13 =	vmul.f32 $5.656854150e+00, v15;
	[tilespmem:s0+$0xFFFFFF00] =	vst v11  }
0xcd: {  	[tilespmem:s0+$0x80] =	vst v8;
	v8 =	vmul.f32 $5.656854150e+00, v9  }
0xce: {  	[tilespmem:s0+$0xFFFFFF80] =	vst v13  }
0xcf: {  	[tilespmem:s0+$0xFFFFFE80] =	vst v8  }
0xd0: {  	v8 =	vld [tilespmem:s23+$0x30];
	_ =	sdelay $0x4  }
0xd1: {  	v8 =	vshll.u32 v8, $0x5  }
0xd2: {  	v8 =	vand.u32 $0x60, v8  }
0xd3: {  	s24 =	simm.s32 $0x0;
	v8 =	vor.u32 v3, v8  }
0xd4: {  	s25 =	simm.s32 $0x6;
	v9 =	vor.u32 s24, v8  }
0xd5: {  	s1 =	simm.s32 $0x7;
	v10 =	vor.u32 s25, v8  }
0xd6: {  	s26 =	simm.s32 $0x5;
	v11 =	vor.u32 s1, v8  }
0xd7: {  	s28 =	simm.s32 $0x3;
	v12 =	vor.u32 s26, v8  }
0xd8: {  	s29 =	simm.s32 $0x4;
	v13 =	vor.u32 s28, v8  }
0xd9: {  	s31 =	simm.s32 $0x1;
	v14 =	vor.u32 s29, v8;
	v17 =	vld.idx.msk [tilespmem:v9+s20+$0x0], $0xffff  }
0xda: {  	s30 =	simm.s32 $0x2;
	v16 =	vor.u32 s31, v8;
	v10 =	vld.idx.msk [tilespmem:v10+s20+$0x0], $0xffff  }
0xdb: {  	s24 =	simm.s32 $0x8;
	v9 =	vor.u32 s30, v8;
	v19 =	vld.idx.msk [tilespmem:v11+s20+$0x0], $0xffff  }
0xdc: {  	s25 =	simm.s32 $0xE;
	v20 =	vld.idx.msk [tilespmem:v12+s20+$0x0], $0xffff;
	v12 =	vor.u32 s24, v8  }
0xdd: {  	v23 =	vor.u32 s25, v8;
	v22 =	vld.idx.msk [tilespmem:v13+s20+$0x0], $0xffff  }
0xde: {  	s26 =	simm.s32 $0xF;
	v13 =	vld.idx.msk [tilespmem:v14+s20+$0x0], $0xffff  }
0xdf: {  	s28 =	simm.s32 $0xB;
	v18 =	vor.u32 s26, v8;
	s30 =	simm.s32 $0xD;
	v16 =	vld.idx.msk [tilespmem:v16+s20+$0x0], $0xffff;
	v24 =	vmul.f32 $5.656854150e+00, v10  }
0xe0: {  	s29 =	simm.s32 $0xC;
	s26 =	simm.s32 $0x9;
	v15 =	vor.u32 s28, v8;
	s24 =	sadd.s32 $0xC630, s22;
	v14 =	vld.idx.msk [tilespmem:v9+s20+$0x0], $0xffff;
	v25 =	vmul.f32 $5.656854150e+00, v19;
	v19 =	vor.u32 s30, v8  }
0xe1: {  	s31 =	simm.s32 $0xA;
	v11 =	vor.u32 s29, v8;
	v9 =	vor.u32 s26, v8;
	v21 =	vmul.f32 $5.656854150e+00, v17;
	v10 =	vld.idx.msk [tilespmem:v12+s20+$0x0], $0xffff;
	[tilespmem:s24+$0x100] =	vst v24  }
0xe2: {  	s25 =	smov.u32 s24;
	s26 =	simm.s32 $0x10;
	v12 =	vor.u32 s31, v8;
	v20 =	vmul.f32 $5.656854150e+00, v20;
	v17 =	vld.idx.msk [tilespmem:v23+s20+$0x0], $0xffff;
	v22 =	vmul.f32 $5.656854150e+00, v22;
	[tilespmem:s24+$0x180] =	vst v25  }
.LBB2_11:
0xe3: {  	p0 =	slt.u32 s26, $0x18  }
0xe4: {  	v23 =	vld.idx.msk [tilespmem:v18+s20+$0x0], $0xffff;
	[tilespmem:s24+$0xFFFFFE00] =	vst v21;
	s25 =	sadd.s32 $0x400, s25;
	s0 =	smov.u32 s26;
	s26 =	sadd.s32 $0x8, s26  }
0xe5: {  	v24 =	vld.idx.msk [tilespmem:v19+s20+$0x0], $0xffff;
	[tilespmem:s24+$0xFFFFFF80] =	vst v22;
	v19 =	vmul.f32 $5.656854150e+00, v13  }
0xe6: {  	v22 =	vor.u32 s0, v8;
	s1 =	sadd.s32 $0x6, s0;
	s28 =	sadd.s32 $0x7, s0;
	v14 =	vmul.f32 $5.656854150e+00, v14;
	v25 =	vld.idx.msk [tilespmem:v15+s20+$0x0], $0xffff;
	[tilespmem:s24+$0x80] =	vst v20  }
0xe7: {  	s29 =	sadd.s32 $0x3, s0;
	s30 =	sadd.s32 $0x4, s0;
	s31 =	sadd.s32 $0x5, s0;
	v26 =	vor.u32 s1, v8;
	v18 =	vor.u32 s28, v8;
	v16 =	vmul.f32 $5.656854150e+00, v16;
	v13 =	vld.idx.msk [tilespmem:v11+s20+$0x0], $0xffff;
	[tilespmem:s24+$0x0] =	vst v19  }
.Ltmp4:
0xe8: {  	s1 =	sadd.s32 $0x1, s0;
	s0 =	sadd.s32 $0x2, s0;
	v15 =	vor.u32 s29, v8;
	v11 =	vor.u32 s30, v8;
	v19 =	vor.u32 s31, v8;
	[tilespmem:s24+$0xFFFFFF00] =	vst v14;
	(pc) =	sbr.rel @p0 .LBB2_11-.Ltmp4, $4  }
0xe9: {  	v20 =	vor.u32 s1, v8;
	v17 =	vmul.f32 $5.656854150e+00, v17;
	v14 =	vld.idx.msk [tilespmem:v12+s20+$0x0], $0xffff;
	v12 =	vor.u32 s0, v8;
	[tilespmem:s24+$0xFFFFFE80] =	vst v16;
	s24 =	smov.u32 s25  }
0xea: {  	v21 =	vmul.f32 $5.656854150e+00, v10;
	v23 =	vmul.f32 $5.656854150e+00, v23;
	v16 =	vld.idx.msk [tilespmem:v9+s20+$0x0], $0xffff;
	v9 =	vmov v20  }
0xeb: {  	v20 =	vmul.f32 $5.656854150e+00, v24;
	v10 =	vld.idx.msk [tilespmem:v22+s20+$0x0], $0xffff;
	[tilespmem:s25+$0x100] =	vst v17  }
0xec: {  	v22 =	vmul.f32 $5.656854150e+00, v25;
	v17 =	vld.idx.msk [tilespmem:v26+s20+$0x0], $0xffff;
	[tilespmem:s25+$0x180] =	vst v23  }
0xed: {  	_ =	sdelay $0x2  }
0xee: {  	[tilespmem:s24+$0xFFFFFE00] =	vst v21  }
0xef: {  	v8 =	vld.idx.msk [tilespmem:v18+s20+$0x0], $0xffff;
	v13 =	vmul.f32 $5.656854150e+00, v13;
	[tilespmem:s24+$0x80] =	vst v20  }
0xf0: {  	v11 =	vld.idx.msk [tilespmem:v11+s20+$0x0], $0xffff;
	[tilespmem:s24+$0xFFFFFF80] =	vst v22;
	v14 =	vmul.f32 $5.656854150e+00, v14  }
0xf1: {  	v12 =	vld.idx.msk [tilespmem:v12+s20+$0x0], $0xffff;
	v16 =	vmul.f32 $5.656854150e+00, v16;
	[tilespmem:s24+$0x0] =	vst v13  }
0xf2: {  	v18 =	vld.idx.msk [tilespmem:v19+s20+$0x0], $0xffff;
	[tilespmem:s24+$0xFFFFFF00] =	vst v14;
	v10 =	vmul.f32 $5.656854150e+00, v10  }
0xf3: {  	v15 =	vld.idx.msk [tilespmem:v15+s20+$0x0], $0xffff;
	s0 =	sadd.s32 $0x400, s25;
	v13 =	vmul.f32 $5.656854150e+00, v17;
	[tilespmem:s24+$0xFFFFFE80] =	vst v16  }
0xf4: {  	v9 =	vld.idx.msk [tilespmem:v9+s20+$0x0], $0xffff;
	v8 =	vmul.f32 $5.656854150e+00, v8;
	[tilespmem:s0+$0xFFFFFE00] =	vst v10  }
0xf5: {  	v10 =	vmul.f32 $5.656854150e+00, v11;
	[tilespmem:s0+$0x100] =	vst v13  }
0xf6: {  	v11 =	vmul.f32 $5.656854150e+00, v12;
	[tilespmem:s0+$0x180] =	vst v8  }
0xf7: {  	v8 =	vmul.f32 $5.656854150e+00, v18;
	[tilespmem:s0+$0x0] =	vst v10  }
0xf8: {  	v13 =	vmul.f32 $5.656854150e+00, v15;
	[tilespmem:s0+$0xFFFFFF00] =	vst v11  }
0xf9: {  	[tilespmem:s0+$0x80] =	vst v8;
	v8 =	vmul.f32 $5.656854150e+00, v9  }
0xfa: {  	[tilespmem:s0+$0xFFFFFF80] =	vst v13  }
0xfb: {  	[tilespmem:s0+$0xFFFFFE80] =	vst v8  }
0xfc: {  	v8 =	vld [tilespmem:s23+$0x40];
	_ =	sdelay $0x4  }
0xfd: {  	v8 =	vshll.u32 v8, $0x5  }
0xfe: {  	v8 =	vand.u32 $0x60, v8  }
0xff: {  	s24 =	simm.s32 $0x0;
	v8 =	vor.u32 v4, v8  }
0x100: {  	s25 =	simm.s32 $0x6;
	v9 =	vor.u32 s24, v8  }
0x101: {  	s1 =	simm.s32 $0x7;
	v10 =	vor.u32 s25, v8  }
0x102: {  	s26 =	simm.s32 $0x5;
	v11 =	vor.u32 s1, v8  }
0x103: {  	s28 =	simm.s32 $0x3;
	v12 =	vor.u32 s26, v8  }
0x104: {  	s29 =	simm.s32 $0x4;
	v13 =	vor.u32 s28, v8  }
0x105: {  	s31 =	simm.s32 $0x1;
	v14 =	vor.u32 s29, v8;
	v17 =	vld.idx.msk [tilespmem:v9+s20+$0x0], $0xffff  }
0x106: {  	s30 =	simm.s32 $0x2;
	v16 =	vor.u32 s31, v8;
	v10 =	vld.idx.msk [tilespmem:v10+s20+$0x0], $0xffff  }
0x107: {  	s24 =	simm.s32 $0x8;
	v9 =	vor.u32 s30, v8;
	v19 =	vld.idx.msk [tilespmem:v11+s20+$0x0], $0xffff  }
0x108: {  	s25 =	simm.s32 $0xE;
	v20 =	vld.idx.msk [tilespmem:v12+s20+$0x0], $0xffff;
	v12 =	vor.u32 s24, v8  }
0x109: {  	v23 =	vor.u32 s25, v8;
	v22 =	vld.idx.msk [tilespmem:v13+s20+$0x0], $0xffff  }
0x10a: {  	s26 =	simm.s32 $0xF;
	v13 =	vld.idx.msk [tilespmem:v14+s20+$0x0], $0xffff  }
0x10b: {  	s28 =	simm.s32 $0xB;
	v18 =	vor.u32 s26, v8;
	s30 =	simm.s32 $0xD;
	v16 =	vld.idx.msk [tilespmem:v16+s20+$0x0], $0xffff;
	v24 =	vmul.f32 $5.656854150e+00, v10  }
0x10c: {  	s29 =	simm.s32 $0xC;
	s26 =	simm.s32 $0x9;
	v15 =	vor.u32 s28, v8;
	s24 =	sadd.s32 $0xC640, s22;
	v14 =	vld.idx.msk [tilespmem:v9+s20+$0x0], $0xffff;
	v25 =	vmul.f32 $5.656854150e+00, v19;
	v19 =	vor.u32 s30, v8  }
0x10d: {  	s31 =	simm.s32 $0xA;
	v11 =	vor.u32 s29, v8;
	v9 =	vor.u32 s26, v8;
	v21 =	vmul.f32 $5.656854150e+00, v17;
	v10 =	vld.idx.msk [tilespmem:v12+s20+$0x0], $0xffff;
	[tilespmem:s24+$0x100] =	vst v24  }
0x10e: {  	s25 =	smov.u32 s24;
	s26 =	simm.s32 $0x10;
	v12 =	vor.u32 s31, v8;
	v20 =	vmul.f32 $5.656854150e+00, v20;
	v17 =	vld.idx.msk [tilespmem:v23+s20+$0x0], $0xffff;
	v22 =	vmul.f32 $5.656854150e+00, v22;
	[tilespmem:s24+$0x180] =	vst v25  }
.LBB2_13:
0x10f: {  	p0 =	slt.u32 s26, $0x18  }
0x110: {  	v23 =	vld.idx.msk [tilespmem:v18+s20+$0x0], $0xffff;
	[tilespmem:s24+$0xFFFFFE00] =	vst v21;
	s25 =	sadd.s32 $0x400, s25;
	s0 =	smov.u32 s26;
	s26 =	sadd.s32 $0x8, s26  }
0x111: {  	v24 =	vld.idx.msk [tilespmem:v19+s20+$0x0], $0xffff;
	[tilespmem:s24+$0xFFFFFF80] =	vst v22;
	v19 =	vmul.f32 $5.656854150e+00, v13  }
0x112: {  	v22 =	vor.u32 s0, v8;
	s1 =	sadd.s32 $0x6, s0;
	s28 =	sadd.s32 $0x7, s0;
	v14 =	vmul.f32 $5.656854150e+00, v14;
	v25 =	vld.idx.msk [tilespmem:v15+s20+$0x0], $0xffff;
	[tilespmem:s24+$0x80] =	vst v20  }
0x113: {  	s29 =	sadd.s32 $0x3, s0;
	s30 =	sadd.s32 $0x4, s0;
	s31 =	sadd.s32 $0x5, s0;
	v26 =	vor.u32 s1, v8;
	v18 =	vor.u32 s28, v8;
	v16 =	vmul.f32 $5.656854150e+00, v16;
	v13 =	vld.idx.msk [tilespmem:v11+s20+$0x0], $0xffff;
	[tilespmem:s24+$0x0] =	vst v19  }
.Ltmp5:
0x114: {  	s1 =	sadd.s32 $0x1, s0;
	s0 =	sadd.s32 $0x2, s0;
	v15 =	vor.u32 s29, v8;
	v11 =	vor.u32 s30, v8;
	v19 =	vor.u32 s31, v8;
	[tilespmem:s24+$0xFFFFFF00] =	vst v14;
	(pc) =	sbr.rel @p0 .LBB2_13-.Ltmp5, $4  }
0x115: {  	v20 =	vor.u32 s1, v8;
	v17 =	vmul.f32 $5.656854150e+00, v17;
	v14 =	vld.idx.msk [tilespmem:v12+s20+$0x0], $0xffff;
	v12 =	vor.u32 s0, v8;
	[tilespmem:s24+$0xFFFFFE80] =	vst v16;
	s24 =	smov.u32 s25  }
0x116: {  	v21 =	vmul.f32 $5.656854150e+00, v10;
	v23 =	vmul.f32 $5.656854150e+00, v23;
	v16 =	vld.idx.msk [tilespmem:v9+s20+$0x0], $0xffff;
	v9 =	vmov v20  }
0x117: {  	v20 =	vmul.f32 $5.656854150e+00, v24;
	v10 =	vld.idx.msk [tilespmem:v22+s20+$0x0], $0xffff;
	[tilespmem:s25+$0x100] =	vst v17  }
0x118: {  	v22 =	vmul.f32 $5.656854150e+00, v25;
	v17 =	vld.idx.msk [tilespmem:v26+s20+$0x0], $0xffff;
	[tilespmem:s25+$0x180] =	vst v23  }
0x119: {  	_ =	sdelay $0x2  }
0x11a: {  	[tilespmem:s24+$0xFFFFFE00] =	vst v21  }
0x11b: {  	v8 =	vld.idx.msk [tilespmem:v18+s20+$0x0], $0xffff;
	v13 =	vmul.f32 $5.656854150e+00, v13;
	[tilespmem:s24+$0x80] =	vst v20  }
0x11c: {  	v11 =	vld.idx.msk [tilespmem:v11+s20+$0x0], $0xffff;
	[tilespmem:s24+$0xFFFFFF80] =	vst v22;
	v14 =	vmul.f32 $5.656854150e+00, v14  }
0x11d: {  	v12 =	vld.idx.msk [tilespmem:v12+s20+$0x0], $0xffff;
	v16 =	vmul.f32 $5.656854150e+00, v16;
	[tilespmem:s24+$0x0] =	vst v13  }
0x11e: {  	v18 =	vld.idx.msk [tilespmem:v19+s20+$0x0], $0xffff;
	[tilespmem:s24+$0xFFFFFF00] =	vst v14;
	v10 =	vmul.f32 $5.656854150e+00, v10  }
0x11f: {  	v15 =	vld.idx.msk [tilespmem:v15+s20+$0x0], $0xffff;
	s0 =	sadd.s32 $0x400, s25;
	v13 =	vmul.f32 $5.656854150e+00, v17;
	[tilespmem:s24+$0xFFFFFE80] =	vst v16  }
0x120: {  	v9 =	vld.idx.msk [tilespmem:v9+s20+$0x0], $0xffff;
	v8 =	vmul.f32 $5.656854150e+00, v8;
	[tilespmem:s0+$0xFFFFFE00] =	vst v10  }
0x121: {  	v10 =	vmul.f32 $5.656854150e+00, v11;
	[tilespmem:s0+$0x100] =	vst v13  }
0x122: {  	v11 =	vmul.f32 $5.656854150e+00, v12;
	[tilespmem:s0+$0x180] =	vst v8  }
0x123: {  	v8 =	vmul.f32 $5.656854150e+00, v18;
	[tilespmem:s0+$0x0] =	vst v10  }
0x124: {  	v13 =	vmul.f32 $5.656854150e+00, v15;
	[tilespmem:s0+$0xFFFFFF00] =	vst v11  }
0x125: {  	[tilespmem:s0+$0x80] =	vst v8;
	v8 =	vmul.f32 $5.656854150e+00, v9  }
0x126: {  	[tilespmem:s0+$0xFFFFFF80] =	vst v13  }
0x127: {  	[tilespmem:s0+$0xFFFFFE80] =	vst v8  }
0x128: {  	v8 =	vld [tilespmem:s23+$0x50];
	_ =	sdelay $0x4  }
0x129: {  	v8 =	vshll.u32 v8, $0x5  }
0x12a: {  	v8 =	vand.u32 $0x60, v8  }
0x12b: {  	s24 =	simm.s32 $0x0;
	v8 =	vor.u32 v5, v8  }
0x12c: {  	s25 =	simm.s32 $0x6;
	v9 =	vor.u32 s24, v8  }
0x12d: {  	s1 =	simm.s32 $0x7;
	v10 =	vor.u32 s25, v8  }
0x12e: {  	s26 =	simm.s32 $0x5;
	v11 =	vor.u32 s1, v8  }
0x12f: {  	s28 =	simm.s32 $0x3;
	v12 =	vor.u32 s26, v8  }
0x130: {  	s29 =	simm.s32 $0x4;
	v13 =	vor.u32 s28, v8  }
0x131: {  	s31 =	simm.s32 $0x1;
	v14 =	vor.u32 s29, v8;
	v17 =	vld.idx.msk [tilespmem:v9+s20+$0x0], $0xffff  }
0x132: {  	s30 =	simm.s32 $0x2;
	v16 =	vor.u32 s31, v8;
	v10 =	vld.idx.msk [tilespmem:v10+s20+$0x0], $0xffff  }
0x133: {  	s24 =	simm.s32 $0x8;
	v9 =	vor.u32 s30, v8;
	v19 =	vld.idx.msk [tilespmem:v11+s20+$0x0], $0xffff  }
0x134: {  	s25 =	simm.s32 $0xE;
	v20 =	vld.idx.msk [tilespmem:v12+s20+$0x0], $0xffff;
	v12 =	vor.u32 s24, v8  }
0x135: {  	v23 =	vor.u32 s25, v8;
	v22 =	vld.idx.msk [tilespmem:v13+s20+$0x0], $0xffff  }
0x136: {  	s26 =	simm.s32 $0xF;
	v13 =	vld.idx.msk [tilespmem:v14+s20+$0x0], $0xffff  }
0x137: {  	s28 =	simm.s32 $0xB;
	v18 =	vor.u32 s26, v8;
	s30 =	simm.s32 $0xD;
	v16 =	vld.idx.msk [tilespmem:v16+s20+$0x0], $0xffff;
	v24 =	vmul.f32 $5.656854150e+00, v10  }
0x138: {  	s29 =	simm.s32 $0xC;
	s26 =	simm.s32 $0x9;
	v15 =	vor.u32 s28, v8;
	s24 =	sadd.s32 $0xC650, s22;
	v14 =	vld.idx.msk [tilespmem:v9+s20+$0x0], $0xffff;
	v25 =	vmul.f32 $5.656854150e+00, v19;
	v19 =	vor.u32 s30, v8  }
0x139: {  	s31 =	simm.s32 $0xA;
	v11 =	vor.u32 s29, v8;
	v9 =	vor.u32 s26, v8;
	v21 =	vmul.f32 $5.656854150e+00, v17;
	v10 =	vld.idx.msk [tilespmem:v12+s20+$0x0], $0xffff;
	[tilespmem:s24+$0x100] =	vst v24  }
0x13a: {  	s25 =	smov.u32 s24;
	s26 =	simm.s32 $0x10;
	v12 =	vor.u32 s31, v8;
	v20 =	vmul.f32 $5.656854150e+00, v20;
	v17 =	vld.idx.msk [tilespmem:v23+s20+$0x0], $0xffff;
	v22 =	vmul.f32 $5.656854150e+00, v22;
	[tilespmem:s24+$0x180] =	vst v25  }
.LBB2_15:
0x13b: {  	p0 =	slt.u32 s26, $0x18  }
0x13c: {  	v23 =	vld.idx.msk [tilespmem:v18+s20+$0x0], $0xffff;
	[tilespmem:s24+$0xFFFFFE00] =	vst v21;
	s25 =	sadd.s32 $0x400, s25;
	s0 =	smov.u32 s26;
	s26 =	sadd.s32 $0x8, s26  }
0x13d: {  	v24 =	vld.idx.msk [tilespmem:v19+s20+$0x0], $0xffff;
	[tilespmem:s24+$0xFFFFFF80] =	vst v22;
	v19 =	vmul.f32 $5.656854150e+00, v13  }
0x13e: {  	v22 =	vor.u32 s0, v8;
	s1 =	sadd.s32 $0x6, s0;
	s28 =	sadd.s32 $0x7, s0;
	v14 =	vmul.f32 $5.656854150e+00, v14;
	v25 =	vld.idx.msk [tilespmem:v15+s20+$0x0], $0xffff;
	[tilespmem:s24+$0x80] =	vst v20  }
0x13f: {  	s29 =	sadd.s32 $0x3, s0;
	s30 =	sadd.s32 $0x4, s0;
	s31 =	sadd.s32 $0x5, s0;
	v26 =	vor.u32 s1, v8;
	v18 =	vor.u32 s28, v8;
	v16 =	vmul.f32 $5.656854150e+00, v16;
	v13 =	vld.idx.msk [tilespmem:v11+s20+$0x0], $0xffff;
	[tilespmem:s24+$0x0] =	vst v19  }
.Ltmp6:
0x140: {  	s1 =	sadd.s32 $0x1, s0;
	s0 =	sadd.s32 $0x2, s0;
	v15 =	vor.u32 s29, v8;
	v11 =	vor.u32 s30, v8;
	v19 =	vor.u32 s31, v8;
	[tilespmem:s24+$0xFFFFFF00] =	vst v14;
	(pc) =	sbr.rel @p0 .LBB2_15-.Ltmp6, $4  }
0x141: {  	v20 =	vor.u32 s1, v8;
	v17 =	vmul.f32 $5.656854150e+00, v17;
	v14 =	vld.idx.msk [tilespmem:v12+s20+$0x0], $0xffff;
	v12 =	vor.u32 s0, v8;
	[tilespmem:s24+$0xFFFFFE80] =	vst v16;
	s24 =	smov.u32 s25  }
0x142: {  	v21 =	vmul.f32 $5.656854150e+00, v10;
	v23 =	vmul.f32 $5.656854150e+00, v23;
	v16 =	vld.idx.msk [tilespmem:v9+s20+$0x0], $0xffff;
	v9 =	vmov v20  }
0x143: {  	v20 =	vmul.f32 $5.656854150e+00, v24;
	v10 =	vld.idx.msk [tilespmem:v22+s20+$0x0], $0xffff;
	[tilespmem:s25+$0x100] =	vst v17  }
0x144: {  	v22 =	vmul.f32 $5.656854150e+00, v25;
	v17 =	vld.idx.msk [tilespmem:v26+s20+$0x0], $0xffff;
	[tilespmem:s25+$0x180] =	vst v23  }
0x145: {  	_ =	sdelay $0x2  }
0x146: {  	[tilespmem:s24+$0xFFFFFE00] =	vst v21  }
0x147: {  	v8 =	vld.idx.msk [tilespmem:v18+s20+$0x0], $0xffff;
	v13 =	vmul.f32 $5.656854150e+00, v13;
	[tilespmem:s24+$0x80] =	vst v20  }
0x148: {  	v11 =	vld.idx.msk [tilespmem:v11+s20+$0x0], $0xffff;
	[tilespmem:s24+$0xFFFFFF80] =	vst v22;
	v14 =	vmul.f32 $5.656854150e+00, v14  }
0x149: {  	v12 =	vld.idx.msk [tilespmem:v12+s20+$0x0], $0xffff;
	v16 =	vmul.f32 $5.656854150e+00, v16;
	[tilespmem:s24+$0x0] =	vst v13  }
0x14a: {  	v18 =	vld.idx.msk [tilespmem:v19+s20+$0x0], $0xffff;
	[tilespmem:s24+$0xFFFFFF00] =	vst v14;
	v10 =	vmul.f32 $5.656854150e+00, v10  }
0x14b: {  	v15 =	vld.idx.msk [tilespmem:v15+s20+$0x0], $0xffff;
	s0 =	sadd.s32 $0x400, s25;
	v13 =	vmul.f32 $5.656854150e+00, v17;
	[tilespmem:s24+$0xFFFFFE80] =	vst v16  }
0x14c: {  	v9 =	vld.idx.msk [tilespmem:v9+s20+$0x0], $0xffff;
	v8 =	vmul.f32 $5.656854150e+00, v8;
	[tilespmem:s0+$0xFFFFFE00] =	vst v10  }
0x14d: {  	v10 =	vmul.f32 $5.656854150e+00, v11;
	[tilespmem:s0+$0x100] =	vst v13  }
0x14e: {  	v11 =	vmul.f32 $5.656854150e+00, v12;
	[tilespmem:s0+$0x180] =	vst v8  }
0x14f: {  	v8 =	vmul.f32 $5.656854150e+00, v18;
	[tilespmem:s0+$0x0] =	vst v10  }
0x150: {  	v13 =	vmul.f32 $5.656854150e+00, v15;
	[tilespmem:s0+$0xFFFFFF00] =	vst v11  }
0x151: {  	[tilespmem:s0+$0x80] =	vst v8;
	v8 =	vmul.f32 $5.656854150e+00, v9  }
0x152: {  	[tilespmem:s0+$0xFFFFFF80] =	vst v13  }
0x153: {  	[tilespmem:s0+$0xFFFFFE80] =	vst v8  }
0x154: {  	v8 =	vld [tilespmem:s23+$0x60];
	_ =	sdelay $0x4  }
0x155: {  	v8 =	vshll.u32 v8, $0x5  }
0x156: {  	v8 =	vand.u32 $0x60, v8  }
0x157: {  	s24 =	simm.s32 $0x0;
	v8 =	vor.u32 v6, v8  }
0x158: {  	s25 =	simm.s32 $0x6;
	v9 =	vor.u32 s24, v8  }
0x159: {  	s1 =	simm.s32 $0x7;
	v10 =	vor.u32 s25, v8  }
0x15a: {  	s26 =	simm.s32 $0x5;
	v11 =	vor.u32 s1, v8  }
0x15b: {  	s28 =	simm.s32 $0x3;
	v12 =	vor.u32 s26, v8  }
0x15c: {  	s29 =	simm.s32 $0x4;
	v13 =	vor.u32 s28, v8  }
0x15d: {  	s31 =	simm.s32 $0x1;
	v14 =	vor.u32 s29, v8;
	v17 =	vld.idx.msk [tilespmem:v9+s20+$0x0], $0xffff  }
0x15e: {  	s30 =	simm.s32 $0x2;
	v16 =	vor.u32 s31, v8;
	v10 =	vld.idx.msk [tilespmem:v10+s20+$0x0], $0xffff  }
0x15f: {  	s24 =	simm.s32 $0x8;
	v9 =	vor.u32 s30, v8;
	v19 =	vld.idx.msk [tilespmem:v11+s20+$0x0], $0xffff  }
0x160: {  	s25 =	simm.s32 $0xE;
	v20 =	vld.idx.msk [tilespmem:v12+s20+$0x0], $0xffff;
	v12 =	vor.u32 s24, v8  }
0x161: {  	v23 =	vor.u32 s25, v8;
	v22 =	vld.idx.msk [tilespmem:v13+s20+$0x0], $0xffff  }
0x162: {  	s26 =	simm.s32 $0xF;
	v13 =	vld.idx.msk [tilespmem:v14+s20+$0x0], $0xffff  }
0x163: {  	s28 =	simm.s32 $0xB;
	v18 =	vor.u32 s26, v8;
	s30 =	simm.s32 $0xD;
	v16 =	vld.idx.msk [tilespmem:v16+s20+$0x0], $0xffff;
	v24 =	vmul.f32 $5.656854150e+00, v10  }
0x164: {  	s29 =	simm.s32 $0xC;
	s26 =	simm.s32 $0x9;
	v15 =	vor.u32 s28, v8;
	s24 =	sadd.s32 $0xC660, s22;
	v14 =	vld.idx.msk [tilespmem:v9+s20+$0x0], $0xffff;
	v25 =	vmul.f32 $5.656854150e+00, v19;
	v19 =	vor.u32 s30, v8  }
0x165: {  	s31 =	simm.s32 $0xA;
	v11 =	vor.u32 s29, v8;
	v9 =	vor.u32 s26, v8;
	v21 =	vmul.f32 $5.656854150e+00, v17;
	v10 =	vld.idx.msk [tilespmem:v12+s20+$0x0], $0xffff;
	[tilespmem:s24+$0x100] =	vst v24  }
0x166: {  	s25 =	smov.u32 s24;
	s26 =	simm.s32 $0x10;
	v12 =	vor.u32 s31, v8;
	v20 =	vmul.f32 $5.656854150e+00, v20;
	v17 =	vld.idx.msk [tilespmem:v23+s20+$0x0], $0xffff;
	v22 =	vmul.f32 $5.656854150e+00, v22;
	[tilespmem:s24+$0x180] =	vst v25  }
.LBB2_17:
0x167: {  	p0 =	slt.u32 s26, $0x18  }
0x168: {  	v23 =	vld.idx.msk [tilespmem:v18+s20+$0x0], $0xffff;
	[tilespmem:s24+$0xFFFFFE00] =	vst v21;
	s25 =	sadd.s32 $0x400, s25;
	s0 =	smov.u32 s26;
	s26 =	sadd.s32 $0x8, s26  }
0x169: {  	v24 =	vld.idx.msk [tilespmem:v19+s20+$0x0], $0xffff;
	[tilespmem:s24+$0xFFFFFF80] =	vst v22;
	v19 =	vmul.f32 $5.656854150e+00, v13  }
0x16a: {  	v22 =	vor.u32 s0, v8;
	s1 =	sadd.s32 $0x6, s0;
	s28 =	sadd.s32 $0x7, s0;
	v14 =	vmul.f32 $5.656854150e+00, v14;
	v25 =	vld.idx.msk [tilespmem:v15+s20+$0x0], $0xffff;
	[tilespmem:s24+$0x80] =	vst v20  }
0x16b: {  	s29 =	sadd.s32 $0x3, s0;
	s30 =	sadd.s32 $0x4, s0;
	s31 =	sadd.s32 $0x5, s0;
	v26 =	vor.u32 s1, v8;
	v18 =	vor.u32 s28, v8;
	v16 =	vmul.f32 $5.656854150e+00, v16;
	v13 =	vld.idx.msk [tilespmem:v11+s20+$0x0], $0xffff;
	[tilespmem:s24+$0x0] =	vst v19  }
.Ltmp7:
0x16c: {  	s1 =	sadd.s32 $0x1, s0;
	s0 =	sadd.s32 $0x2, s0;
	v15 =	vor.u32 s29, v8;
	v11 =	vor.u32 s30, v8;
	v19 =	vor.u32 s31, v8;
	[tilespmem:s24+$0xFFFFFF00] =	vst v14;
	(pc) =	sbr.rel @p0 .LBB2_17-.Ltmp7, $4  }
0x16d: {  	v20 =	vor.u32 s1, v8;
	v17 =	vmul.f32 $5.656854150e+00, v17;
	v14 =	vld.idx.msk [tilespmem:v12+s20+$0x0], $0xffff;
	v12 =	vor.u32 s0, v8;
	[tilespmem:s24+$0xFFFFFE80] =	vst v16;
	s24 =	smov.u32 s25  }
0x16e: {  	v21 =	vmul.f32 $5.656854150e+00, v10;
	v23 =	vmul.f32 $5.656854150e+00, v23;
	v16 =	vld.idx.msk [tilespmem:v9+s20+$0x0], $0xffff;
	v9 =	vmov v20  }
0x16f: {  	v20 =	vmul.f32 $5.656854150e+00, v24;
	v10 =	vld.idx.msk [tilespmem:v22+s20+$0x0], $0xffff;
	[tilespmem:s25+$0x100] =	vst v17  }
0x170: {  	v22 =	vmul.f32 $5.656854150e+00, v25;
	v17 =	vld.idx.msk [tilespmem:v26+s20+$0x0], $0xffff;
	[tilespmem:s25+$0x180] =	vst v23  }
0x171: {  	_ =	sdelay $0x2  }
0x172: {  	[tilespmem:s24+$0xFFFFFE00] =	vst v21  }
0x173: {  	v8 =	vld.idx.msk [tilespmem:v18+s20+$0x0], $0xffff;
	v13 =	vmul.f32 $5.656854150e+00, v13;
	[tilespmem:s24+$0x80] =	vst v20  }
0x174: {  	v11 =	vld.idx.msk [tilespmem:v11+s20+$0x0], $0xffff;
	[tilespmem:s24+$0xFFFFFF80] =	vst v22;
	v14 =	vmul.f32 $5.656854150e+00, v14  }
0x175: {  	v12 =	vld.idx.msk [tilespmem:v12+s20+$0x0], $0xffff;
	v16 =	vmul.f32 $5.656854150e+00, v16;
	[tilespmem:s24+$0x0] =	vst v13  }
0x176: {  	v18 =	vld.idx.msk [tilespmem:v19+s20+$0x0], $0xffff;
	[tilespmem:s24+$0xFFFFFF00] =	vst v14;
	v10 =	vmul.f32 $5.656854150e+00, v10  }
0x177: {  	v15 =	vld.idx.msk [tilespmem:v15+s20+$0x0], $0xffff;
	s0 =	sadd.s32 $0x400, s25;
	v13 =	vmul.f32 $5.656854150e+00, v17;
	[tilespmem:s24+$0xFFFFFE80] =	vst v16  }
0x178: {  	v9 =	vld.idx.msk [tilespmem:v9+s20+$0x0], $0xffff;
	v8 =	vmul.f32 $5.656854150e+00, v8;
	[tilespmem:s0+$0xFFFFFE00] =	vst v10  }
0x179: {  	v10 =	vmul.f32 $5.656854150e+00, v11;
	[tilespmem:s0+$0x100] =	vst v13  }
0x17a: {  	v11 =	vmul.f32 $5.656854150e+00, v12;
	[tilespmem:s0+$0x180] =	vst v8  }
0x17b: {  	v8 =	vmul.f32 $5.656854150e+00, v18;
	[tilespmem:s0+$0x0] =	vst v10  }
0x17c: {  	v13 =	vmul.f32 $5.656854150e+00, v15;
	[tilespmem:s0+$0xFFFFFF00] =	vst v11  }
0x17d: {  	[tilespmem:s0+$0x80] =	vst v8;
	v8 =	vmul.f32 $5.656854150e+00, v9  }
0x17e: {  	[tilespmem:s0+$0xFFFFFF80] =	vst v13  }
0x17f: {  	[tilespmem:s0+$0xFFFFFE80] =	vst v8  }
0x180: {  	v8 =	vld [tilespmem:s23+$0x70];
	_ =	sdelay $0x4  }
0x181: {  	v8 =	vshll.u32 v8, $0x5  }
0x182: {  	v8 =	vand.u32 $0x60, v8  }
0x183: {  	s24 =	simm.s32 $0x0;
	v8 =	vor.u32 v7, v8  }
0x184: {  	s25 =	simm.s32 $0x6;
	v9 =	vor.u32 s24, v8  }
0x185: {  	s1 =	simm.s32 $0x7;
	v10 =	vor.u32 s25, v8  }
0x186: {  	s26 =	simm.s32 $0x5;
	v11 =	vor.u32 s1, v8  }
0x187: {  	s28 =	simm.s32 $0x3;
	v12 =	vor.u32 s26, v8  }
0x188: {  	s29 =	simm.s32 $0x4;
	v13 =	vor.u32 s28, v8  }
0x189: {  	s31 =	simm.s32 $0x1;
	v14 =	vor.u32 s29, v8;
	v17 =	vld.idx.msk [tilespmem:v9+s20+$0x0], $0xffff  }
0x18a: {  	s30 =	simm.s32 $0x2;
	v16 =	vor.u32 s31, v8;
	v10 =	vld.idx.msk [tilespmem:v10+s20+$0x0], $0xffff  }
0x18b: {  	s23 =	simm.s32 $0x8;
	v9 =	vor.u32 s30, v8;
	v19 =	vld.idx.msk [tilespmem:v11+s20+$0x0], $0xffff  }
0x18c: {  	s24 =	simm.s32 $0xE;
	v20 =	vld.idx.msk [tilespmem:v12+s20+$0x0], $0xffff;
	v12 =	vor.u32 s23, v8  }
0x18d: {  	v23 =	vor.u32 s24, v8;
	v22 =	vld.idx.msk [tilespmem:v13+s20+$0x0], $0xffff  }
0x18e: {  	s25 =	simm.s32 $0xF;
	v13 =	vld.idx.msk [tilespmem:v14+s20+$0x0], $0xffff  }
0x18f: {  	s26 =	simm.s32 $0xB;
	s29 =	simm.s32 $0xD;
	v18 =	vor.u32 s25, v8;
	v16 =	vld.idx.msk [tilespmem:v16+s20+$0x0], $0xffff;
	v24 =	vmul.f32 $5.656854150e+00, v10  }
0x190: {  	s22 =	sadd.s32 $0xC670, s22;
	s28 =	simm.s32 $0xC;
	v15 =	vor.u32 s26, v8;
	s30 =	simm.s32 $0x9;
	v14 =	vld.idx.msk [tilespmem:v9+s20+$0x0], $0xffff;
	v25 =	vmul.f32 $5.656854150e+00, v19;
	v19 =	vor.u32 s29, v8  }
0x191: {  	s31 =	simm.s32 $0xA;
	v11 =	vor.u32 s28, v8;
	v9 =	vor.u32 s30, v8;
	v21 =	vmul.f32 $5.656854150e+00, v17;
	v10 =	vld.idx.msk [tilespmem:v12+s20+$0x0], $0xffff;
	[tilespmem:s22+$0x100] =	vst v24  }
0x192: {  	s24 =	simm.s32 $0x10;
	s23 =	smov.u32 s22;
	v12 =	vor.u32 s31, v8;
	v20 =	vmul.f32 $5.656854150e+00, v20;
	v17 =	vld.idx.msk [tilespmem:v23+s20+$0x0], $0xffff;
	v22 =	vmul.f32 $5.656854150e+00, v22;
	[tilespmem:s22+$0x180] =	vst v25  }
.LBB2_19:
0x193: {  	p0 =	slt.u32 s24, $0x18  }
0x194: {  	v23 =	vld.idx.msk [tilespmem:v18+s20+$0x0], $0xffff;
	[tilespmem:s22+$0xFFFFFE00] =	vst v21;
	s23 =	sadd.s32 $0x400, s23;
	s0 =	smov.u32 s24;
	s24 =	sadd.s32 $0x8, s24  }
0x195: {  	v24 =	vld.idx.msk [tilespmem:v19+s20+$0x0], $0xffff;
	[tilespmem:s22+$0xFFFFFF80] =	vst v22;
	v19 =	vmul.f32 $5.656854150e+00, v13  }
0x196: {  	v22 =	vor.u32 s0, v8;
	s1 =	sadd.s32 $0x6, s0;
	s25 =	sadd.s32 $0x7, s0;
	v14 =	vmul.f32 $5.656854150e+00, v14;
	v25 =	vld.idx.msk [tilespmem:v15+s20+$0x0], $0xffff;
	[tilespmem:s22+$0x80] =	vst v20  }
0x197: {  	s26 =	sadd.s32 $0x3, s0;
	s28 =	sadd.s32 $0x4, s0;
	s29 =	sadd.s32 $0x5, s0;
	v26 =	vor.u32 s1, v8;
	v18 =	vor.u32 s25, v8;
	v16 =	vmul.f32 $5.656854150e+00, v16;
	v13 =	vld.idx.msk [tilespmem:v11+s20+$0x0], $0xffff;
	[tilespmem:s22+$0x0] =	vst v19  }
.Ltmp8:
0x198: {  	s1 =	sadd.s32 $0x1, s0;
	s0 =	sadd.s32 $0x2, s0;
	v15 =	vor.u32 s26, v8;
	v11 =	vor.u32 s28, v8;
	v19 =	vor.u32 s29, v8;
	[tilespmem:s22+$0xFFFFFF00] =	vst v14;
	(pc) =	sbr.rel @p0 .LBB2_19-.Ltmp8, $4  }
0x199: {  	v20 =	vor.u32 s1, v8;
	v17 =	vmul.f32 $5.656854150e+00, v17;
	v14 =	vld.idx.msk [tilespmem:v12+s20+$0x0], $0xffff;
	v12 =	vor.u32 s0, v8;
	[tilespmem:s22+$0xFFFFFE80] =	vst v16;
	s22 =	smov.u32 s23  }
0x19a: {  	v21 =	vmul.f32 $5.656854150e+00, v10;
	v23 =	vmul.f32 $5.656854150e+00, v23;
	v16 =	vld.idx.msk [tilespmem:v9+s20+$0x0], $0xffff;
	v9 =	vmov v20  }
0x19b: {  	v20 =	vmul.f32 $5.656854150e+00, v24;
	v10 =	vld.idx.msk [tilespmem:v22+s20+$0x0], $0xffff;
	[tilespmem:s23+$0x100] =	vst v17  }
0x19c: {  	v22 =	vmul.f32 $5.656854150e+00, v25;
	v17 =	vld.idx.msk [tilespmem:v26+s20+$0x0], $0xffff;
	[tilespmem:s23+$0x180] =	vst v23  }
0x19d: {  	_ =	sdelay $0x2  }
0x19e: {  	[tilespmem:s22+$0xFFFFFE00] =	vst v21  }
0x19f: {  	v8 =	vld.idx.msk [tilespmem:v18+s20+$0x0], $0xffff;
	v13 =	vmul.f32 $5.656854150e+00, v13;
	[tilespmem:s22+$0x80] =	vst v20  }
0x1a0: {  	v15 =	vld.idx.msk [tilespmem:v15+s20+$0x0], $0xffff;
	[tilespmem:s22+$0xFFFFFF80] =	vst v22;
	v14 =	vmul.f32 $5.656854150e+00, v14  }
0x1a1: {  	v11 =	vld.idx.msk [tilespmem:v11+s20+$0x0], $0xffff;
	v16 =	vmul.f32 $5.656854150e+00, v16;
	[tilespmem:s22+$0x0] =	vst v13  }
0x1a2: {  	v59 =	vld.idx.msk [tilespmem:v19+s20+$0x0], $0xffff;
	[tilespmem:s22+$0xFFFFFF00] =	vst v14;
	v10 =	vmul.f32 $5.656854150e+00, v10  }
0x1a3: {  	s0 =	sadd.s32 $0x400, s23;
	v12 =	vld.idx.msk [tilespmem:v12+s20+$0x0], $0xffff;
	v60 =	vmul.f32 $5.656854150e+00, v17;
	[tilespmem:s22+$0xFFFFFE80] =	vst v16  }
0x1a4: {  	v9 =	vld.idx.msk [tilespmem:v9+s20+$0x0], $0xffff;
	v8 =	vmul.f32 $5.656854150e+00, v8;
	[tilespmem:s0+$0xFFFFFE00] =	vst v10  }
0x1a5: {  	v61 =	vmul.f32 $5.656854150e+00, v15;
	[tilespmem:s0+$0x100] =	vst v60  }
0x1a6: {  	v62 =	vmul.f32 $5.656854150e+00, v11;
	[tilespmem:s0+$0x180] =	vst v8  }
0x1a7: {  	p0 =	slt.u32 s17, $0x68;
	v8 =	vmul.f32 $5.656854150e+00, v59;
	[tilespmem:s0+$0xFFFFFF80] =	vst v61  }
.Ltmp9:
0x1a8: {  	v63 =	vmul.f32 $5.656854150e+00, v12;
	[tilespmem:s0+$0x0] =	vst v62;
	(pc) =	sbr.rel @p0 .LBB2_2-.Ltmp9, $4  }
0x1a9: {  	s1 =	sshll.u32 s19, $0x10;
	[tilespmem:s0+$0x80] =	vst v8;
	v8 =	vmul.f32 $5.656854150e+00, v9  }
0x1aa: {  	s1 =	sadd.s32 s1, s5;
	[tilespmem:s0+$0xFFFFFF00] =	vst v63  }
0x1ab: {  	s20 =	smov.u32 s17;
	s31 =	sadd.s32 s18, s1;
	[tilespmem:s0+$0xFFFFFE80] =	vst v8  }
0x1ac: {  	[hbm4b:s31+s14] =	stream.strided.scatter [tilespmem:s21], [sflag:$0x2], $0x1000, s8, s14, $0x38;
	[tilespmem:$0xE400] =	vst v63  }
0x1ad: {  	s16 =	sadd.s32 $0x1, s16  }
0x1ae: {  	p0 =	sne.s32 s16, s6  }
.Ltmp10:
0x1af: {  	_ = 	snop;
	(pc) =	sbr.rel @p0 .LBB2_1-.Ltmp10, $4  }
0x1b0: {  	_ = 	snop  }
0x1b1: {  	_ =	swait.ge [sflag:s15], $0x1000  }
0x1b2: {  	[sflag:s15] =	ssyncset.done $0x0  }
0x1b3: {  	[sflag:s15] =	ssyncadd.s32 $0xFFFFF000  }
0x1b4: {  	_ =	sfence.sel $0x180000  }
0x1b5: {  	[bflag:$0x0] =	sbarrier.arrive $0xFFFF  }
0x1b6: {  	_ =	strace $0x90000047  }
0x1b7: {  	s0 =	stileid.u32;
	[bflag:$0x2] =	sbarrier.arrive $0xFFFF  }
0x1b8: {  	p0 =	sne.s32 s0, $0x0;
	s0 =	rddreg [dreg:$0x3]  }
0x1b9: {  	s0 =	sadd.s32 @!p0 $0x100000, s0  }
0x1ba: {  	[sflag:s0] =	ssyncadd.tile.s32 @!p0 $0x1;
	_ =	shalt  }
.Lfunc_end2:
_tile_overlayer_lowered:
.L_overlay_start_2:
0x1bb: {  	(tag) =	ssettag $0x2  }
0x1bc: {  	s0 =	rddreg [dreg:$0x0];
	s2 =	stileid.u32  }
0x1bd: {  	s1 =	rddreg [dreg:$0x1];
	p0 =	sne.s32 s2, $0x0  }
0x1be: {  	s3 =	rddreg [dreg:$0x2];
	[bflag:$0x3] =	sbarrier.arrive $0xFFFF;
	s2 =	simm.s32 @!p0 $0x1C03  }
0x1bf: {  	[timem:s3], [sflag:s2] =	dma.local @!p0 [hbm:s0], s1  }
0x1c0: {  	s0 =	simm.s32 @!p0 $0x3  }
0x1c1: {  	_ =	swait.ge @!p0 [sflag:s0], s1  }
0x1c2: {  	s1 =	ssub.s32 @!p0 $0x0, s1;
	[sflag:s0] =	ssyncset.done @!p0 $0x0  }
0x1c3: {  	[sflag:s0] =	ssyncadd.s32 @!p0 s1  }
0x1c4: {  	[bflag:$0x3] =	sbarrier.arrive $0xFFFF  }
0x1c5: {  	_ =	shalt  }

</sc_bundles>
